<compile_context>
chip_gen: v7x
topology: tpu7x:2x2x1
jax: 0.10.2.dev20260603
libtpu: 0.0.44.dev20260713+nightly
codegen_flags: <defaults>
</compile_context>

<pallas_src>
import functools

import jax
import jax.numpy as jnp
from jax import lax
from jax.experimental import pallas as pl
from jax.experimental.pallas import tpu as pltpu
from jax.experimental.pallas import tpu_sc as plsc

_N = 10000
_E = 160000
_DIN = 128
_DHID = 128
_DLAT = 32

_NC = 2
_NS = 16
_NW = _NC * _NS
_CHUNK = 128
_NCHUNK = 40
_NCHALF = 20
_EPAD = _NW * _CHUNK * _NCHUNK
_EHALF = _EPAD // 2
_NPAD = 10240
_RPT = _NPAD // _NS
_ZR = 64
_DEGW = _DHID


_NBUF = 2


def _make_prop(d, sd, nchunk):
    mesh = plsc.VectorSubcoreMesh(core_axis_name="c", subcore_axis_name="s")
    crows_types = (
        [pltpu.VMEM((_CHUNK, sd), jnp.float32)] * _NBUF if sd < d else []
    )

    @functools.partial(
        pl.kernel,
        out_type=jax.ShapeDtypeStruct((_NC * _NPAD, sd), jnp.float32),
        mesh=mesh,
        scratch_types=[
            pltpu.VMEM((nchunk, _CHUNK), jnp.int32),
            pltpu.VMEM((nchunk, _CHUNK), jnp.int32),
            pltpu.VMEM_SHARED((_NPAD, sd), jnp.float32),
        ]
        + [pltpu.VMEM((_CHUNK, d), jnp.float32)] * _NBUF
        + crows_types
        + [pltpu.SemaphoreType.DMA] * _NBUF,
    )
    def prop(hws_hbm, src_hbm, dst_hbm, zrow_hbm, out_hbm, src_v, dst_v, acc,
             *ring_and_sems):
        rows = ring_and_sems[:_NBUF]
        if sd < d:
            crows = ring_and_sems[_NBUF:2 * _NBUF]
            sems = ring_and_sems[2 * _NBUF:]
        else:
            crows = rows
            sems = ring_and_sems[_NBUF:]
        c = lax.axis_index("c")
        s = lax.axis_index("s")
        wid = c * _NS + s
        pltpu.sync_copy(zrow_hbm, crows[0])
        for t in range(_RPT // _CHUNK):
            pltpu.sync_copy(crows[0], acc.at[pl.ds(s * _RPT + t * _CHUNK, _CHUNK)])
        pltpu.sync_copy(src_hbm.at[wid], src_v)
        pltpu.sync_copy(dst_hbm.at[wid], dst_v)
        plsc.subcore_barrier()

        def group(g, carry):
            j0 = g * _NBUF
            for b in range(_NBUF):
                j = j0 + b
                pltpu.async_copy(hws_hbm.at[src_v.at[j]], rows[b], sems[b]).wait()
                if sd < d:
                    for r in range(_CHUNK):
                        for k in range(sd // 16):
                            crows[b][r, pl.ds(k * 16, 16)] = rows[b][
                                r, pl.ds(k * 16, 16)
                            ]
                pltpu.sync_copy(crows[b], acc.at[dst_v.at[j]], add=True)
            return carry

        lax.fori_loop(0, nchunk // _NBUF, group, 0)
        plsc.subcore_barrier()
        pltpu.sync_copy(
            acc.at[pl.ds(s * _RPT, _RPT)],
            out_hbm.at[pl.ds(c * _NPAD + s * _RPT, _RPT)],
        )

    return prop


_prop128 = _make_prop(_DHID, _DHID, _NCHUNK)


def _make_degk():
    mesh = plsc.VectorSubcoreMesh(core_axis_name="c", subcore_axis_name="s")

    @functools.partial(
        pl.kernel,
        out_type=jax.ShapeDtypeStruct((_NC * _NPAD, _DHID), jnp.float32),
        mesh=mesh,
        scratch_types=[
            pltpu.VMEM((_NCHUNK, _CHUNK), jnp.int32),
            pltpu.VMEM((_CHUNK, _DHID), jnp.float32),
            pltpu.VMEM_SHARED((_NPAD, _DHID), jnp.float32),
        ],
    )
    def degk(dst_hbm, zrow_hbm, ones_hbm, out_hbm, dst_v, buf, acc):
        c = lax.axis_index("c")
        s = lax.axis_index("s")
        wid = c * _NS + s
        pltpu.sync_copy(zrow_hbm, buf)
        for t in range(_RPT // _CHUNK):
            pltpu.sync_copy(buf, acc.at[pl.ds(s * _RPT + t * _CHUNK, _CHUNK)])
        pltpu.sync_copy(ones_hbm, buf)
        pltpu.sync_copy(dst_hbm.at[wid], dst_v)
        plsc.subcore_barrier()

        def body(j, carry):
            pltpu.sync_copy(buf, acc.at[dst_v.at[j]], add=True)
            return carry

        lax.fori_loop(0, _NCHUNK, body, 0)
        plsc.subcore_barrier()
        pltpu.sync_copy(
            acc.at[pl.ds(s * _RPT, _RPT)],
            out_hbm.at[pl.ds(c * _NPAD + s * _RPT, _RPT)],
        )

    return degk


_degk = _make_degk()




_BN = 1000


def _dinv_of(dc_ref):
    deg = dc_ref[0, :, 0:1] + dc_ref[1, :, 0:1] + 1.0
    return lax.rsqrt(deg)


def _enc1(x, w, dc):
    def body(x_ref, w_ref, dc_ref, o_ref):
        hw = jnp.dot(x_ref[...], w_ref[...], preferred_element_type=jnp.float32)
        o_ref[...] = hw * _dinv_of(dc_ref)

    return pl.pallas_call(
        body,
        grid=(_N // _BN,),
        in_specs=[
            pl.BlockSpec((_BN, _DIN), lambda i: (i, 0)),
            pl.BlockSpec((_DIN, _DHID), lambda i: (0, 0)),
            pl.BlockSpec((_NC, _BN, _DEGW), lambda i: (0, i, 0)),
        ],
        out_specs=pl.BlockSpec((_BN, _DHID), lambda i: (i, 0)),
        out_shape=jax.ShapeDtypeStruct((_N, _DHID), jnp.float32),
    )(x, w, dc)


def _enc2(s1a, hws1, wcat, dc):
    def body(sa_ref, hws1_ref, w_ref, dc_ref, o_ref):
        dinv = _dinv_of(dc_ref)
        h = jnp.maximum(dinv * (sa_ref[0] + sa_ref[1] + hws1_ref[...]), 0.0)
        o_ref[...] = dinv * jnp.dot(
            h, w_ref[...], preferred_element_type=jnp.float32
        )

    return pl.pallas_call(
        body,
        grid=(_N // _BN,),
        in_specs=[
            pl.BlockSpec((_NC, _BN, _DHID), lambda i: (0, i, 0)),
            pl.BlockSpec((_BN, _DHID), lambda i: (i, 0)),
            pl.BlockSpec((_DHID, _DHID), lambda i: (0, 0)),
            pl.BlockSpec((_NC, _BN, _DEGW), lambda i: (0, i, 0)),
        ],
        out_specs=pl.BlockSpec((_BN, _DHID), lambda i: (i, 0)),
        out_shape=jax.ShapeDtypeStruct((_N, _DHID), jnp.float32),
    )(s1a, hws1, wcat, dc)


def _latent(s2a, hws2, dc, eps):
    def body(sa_ref, hws2_ref, dc_ref, eps_ref, mu_ref, ls_ref, z_ref):
        dinv = _dinv_of(dc_ref)
        agg = dinv * (
            sa_ref[0, :, : 2 * _DLAT]
            + sa_ref[1, :, : 2 * _DLAT]
            + hws2_ref[:, : 2 * _DLAT]
        )
        mu = agg[:, :_DLAT]
        ls = agg[:, _DLAT:]
        mu_ref[...] = mu
        ls_ref[...] = ls
        z_ref[...] = mu + eps_ref[...] * jnp.exp(ls)

    out = jax.ShapeDtypeStruct((_N, _DLAT), jnp.float32)
    return pl.pallas_call(
        body,
        grid=(_N // _BN,),
        in_specs=[
            pl.BlockSpec((_NC, _BN, _DHID), lambda i: (0, i, 0)),
            pl.BlockSpec((_BN, _DHID), lambda i: (i, 0)),
            pl.BlockSpec((_NC, _BN, _DEGW), lambda i: (0, i, 0)),
            pl.BlockSpec((_BN, _DLAT), lambda i: (i, 0)),
        ],
        out_specs=[
            pl.BlockSpec((_BN, _DLAT), lambda i: (i, 0)),
            pl.BlockSpec((_BN, _DLAT), lambda i: (i, 0)),
            pl.BlockSpec((_BN, _DLAT), lambda i: (i, 0)),
        ],
        out_shape=[out, out, out],
    )(s2a, hws2, dc, eps)


_BM = 200


def _decoder(z):
    def body(zr_ref, zc_ref, o_ref):
        o_ref[...] = lax.dot_general(
            zr_ref[...],
            zc_ref[...],
            (((1,), (1,)), ((), ())),
            preferred_element_type=jnp.float32,
        )

    return pl.pallas_call(
        body,
        grid=(_N // _BM,),
        in_specs=[
            pl.BlockSpec((_BM, _DLAT), lambda i: (i, 0)),
            pl.BlockSpec((_N, _DLAT), lambda i: (0, 0)),
        ],
        out_specs=pl.BlockSpec((_BM, _N), lambda i: (i, 0)),
        out_shape=jax.ShapeDtypeStruct((_N, _N), jnp.float32),
    )(z, z)


def kernel(x, edge_index, W_hidden, W_mu, W_logstd):
    src = edge_index[0]
    dst = edge_index[1]
    pad = _EPAD - _E
    dummy = _N + (jnp.arange(pad, dtype=jnp.int32) % (_NPAD - _N))
    srcf = jnp.concatenate([src, src[:pad]])
    dstf = jnp.concatenate([dst, dummy])
    dstp = dstf.reshape(_NW, _NCHUNK, _CHUNK)
    srcp = srcf.reshape(_NW, _NCHUNK, _CHUNK)

    zrow = jnp.zeros((_CHUNK, _DHID), jnp.float32)
    ones_rows = jnp.ones((_CHUNK, _DHID), jnp.float32)
    dc = _degk(dstp, zrow, ones_rows).reshape(_NC, _NPAD, _DEGW)
    hws1 = _enc1(x, W_hidden, dc)
    s1a = _prop128(hws1, srcp, dstp, zrow).reshape(_NC, _NPAD, _DHID)
    wcat = jnp.concatenate(
        [W_mu, W_logstd, jnp.zeros((_DHID, _DHID - 2 * _DLAT), jnp.float32)], axis=1
    )
    hws2 = _enc2(s1a, hws1, wcat, dc)
    s2a = _prop128(hws2, srcp, dstp, zrow).reshape(_NC, _NPAD, _DHID)
    eps = jax.random.normal(jax.random.key(1), (_N, _DLAT), jnp.float32)
    mu, logstd, z = _latent(s2a, hws2, dc, eps)
    adj = _decoder(z)
    return (adj, mu, logstd)

# --- scband reference (transcript-rebuilt; emitter-appended) ---
"""Pipeline reference for scband-vgae-2070174237039 (READ-ONLY COPY).

The authoritative reference and input builder live on the scoring server;
editing this copy changes nothing except your own understanding.
"""

import jax, jax.numpy as jnp
import numpy as np

N = 10000
E = 160000
D_IN = 128
D_HID = 128
D_LAT = 32


def setup_inputs(seed: int = 0) -> dict:
    key = jax.random.key(seed)
    k1, k2, k3, k4, k5 = jax.random.split(key, 5)
    x = jax.random.normal(k1, (N, D_IN), dtype=jnp.float32)
    edge_index = jax.random.randint(k2, (2, E), 0, N, dtype=jnp.int32)
    W_hidden = jax.random.normal(k3, (D_IN, D_HID), dtype=jnp.float32) * 0.05
    W_mu = jax.random.normal(k4, (D_HID, D_LAT), dtype=jnp.float32) * 0.05
    W_logstd = jax.random.normal(k5, (D_HID, D_LAT), dtype=jnp.float32) * 0.05
    return {"x": x, "edge_index": edge_index, "W_hidden": W_hidden, "W_mu": W_mu, "W_logstd": W_logstd}


def _gcn_conv(h, src, dst, norm, W):
    # GCN layer (Kipf & Welling): D^{-1/2} (A+I) D^{-1/2} X W
    hw = h @ W
    msg = hw[src] * norm[:, None]
    return jax.ops.segment_sum(msg, dst, num_segments=N)


def reference(x, edge_index, W_hidden, W_mu, W_logstd):
    # add self loops
    loop = jnp.arange(N, dtype=edge_index.dtype)
    src = jnp.concatenate([edge_index[0], loop])
    dst = jnp.concatenate([edge_index[1], loop])
    # symmetric normalization
    deg = jax.ops.segment_sum(jnp.ones(src.shape[0], dtype=jnp.float32), dst, num_segments=N)
    dinv = jnp.where(deg > 0, 1.0 / jnp.sqrt(deg), 0.0)
    norm = dinv[src] * dinv[dst]
    # GCNEncoder: shared hidden GCN layer with relu, then mu / logstd GCN heads
    hidden = jax.nn.relu(_gcn_conv(x, src, dst, norm, W_hidden))
    mu = _gcn_conv(hidden, src, dst, norm, W_mu)
    logstd = _gcn_conv(hidden, src, dst, norm, W_logstd)
    # reparameterize (fixed eps for determinism)
    eps = jax.random.normal(jax.random.key(1), mu.shape, dtype=jnp.float32)
    z = mu + eps * jnp.exp(logstd)
    # DotProductGraphDecoder (dropout inactive at eval): adj logits = z z^T
    adj_recon_logits = z @ z.T
    return (adj_recon_logits, mu, logstd)

if __name__ == "__main__":
    import jax
    _d = setup_inputs()
    print(jax.jit(kernel)(*tuple(_d.values())))

</pallas_src>

<mosaic_0001>
#map = affine_map<(d0, d1) -> (0, 0)>
#map1 = affine_map<(d0, d1) -> (0, 0, 0)>
module attributes {stable_mosaic.version = 14 : i64} {
  func.func @prop(%arg0: i32, %arg1: i32, %arg2: memref<10000x128xf32, #tpu.memory_space<hbm>>, %arg3: memref<32x40x128xi32, #tpu.memory_space<hbm>>, %arg4: memref<32x40x128xi32, #tpu.memory_space<hbm>>, %arg5: memref<128x128xf32, #tpu.memory_space<hbm>>, %arg6: memref<20480x128xf32, #tpu.memory_space<hbm>>, %arg7: memref<40x128xi32, #tpu.memory_space<vmem>>, %arg8: memref<40x128xi32, #tpu.memory_space<vmem>>, %arg9: memref<10240x128xf32, #tpu.memory_space<vmem_shared>>, %arg10: memref<128x128xf32, #tpu.memory_space<vmem>>, %arg11: memref<128x128xf32, #tpu.memory_space<vmem>>, %arg12: memref<!tpu.dma_semaphore, #tpu.memory_space<semaphore_mem>>, %arg13: memref<!tpu.dma_semaphore, #tpu.memory_space<semaphore_mem>>) attributes {dimension_semantics = [#tpu.dimension_semantics<core_parallel>, #tpu.dimension_semantics<subcore_parallel>], iteration_bounds = array<i64: 2, 16>, scalar_prefetch = 0 : i64, scratch_operands = 7 : i64, tpu.core_type = #tpu.core_type<sc_vector_subcore>, window_params = [{transform_indices = #map}, {transform_indices = #map1}, {transform_indices = #map1}, {transform_indices = #map}, {transform_indices = #map}]} {
    %mul3A = arith.constant 16 : i32
    %mul3A_0 = arith.muli %arg0, %mul3A : i32
    %add3A = arith.addi %mul3A_0, %arg1 : i32
    "tpu.region"() ({
      %run_scoped3A = tpu.sem_alloc : memref<!tpu.dma_semaphore, #tpu.memory_space<semaphore_mem>>
      tpu.enqueue_dma source(%arg5 : memref<128x128xf32, #tpu.memory_space<hbm>>) target(%arg10 : memref<128x128xf32, #tpu.memory_space<vmem>>) target_semaphore(%run_scoped3A : memref<!tpu.dma_semaphore, #tpu.memory_space<semaphore_mem>>)
      tpu.wait_dma2 semaphore(%run_scoped3A : memref<!tpu.dma_semaphore, #tpu.memory_space<semaphore_mem>>) src(%arg5 : memref<128x128xf32, #tpu.memory_space<hbm>>) dst(%arg10 : memref<128x128xf32, #tpu.memory_space<vmem>>)
      tpu.yield
    }) : () -> ()
    %mul3A_1 = arith.constant 640 : i32
    %mul3A_2 = arith.muli %arg1, %mul3A_1 : i32
    %add3A_3 = arith.constant 0 : i32
    %add3A_4 = arith.addi %mul3A_2, %add3A_3 : i32
    "tpu.region"() ({
      %run_scoped3A = tpu.sem_alloc : memref<!tpu.dma_semaphore, #tpu.memory_space<semaphore_mem>>
      %dma_start3A = arith.constant 0 : i32
      %dma_start3A_34 = tpu.memref_slice %arg9[%add3A_4, %dma_start3A] : memref<10240x128xf32, #tpu.memory_space<vmem_shared>> -> memref<128x128xf32, #tpu.memory_space<vmem_shared>>
      %dma_start3A_35 = arith.constant 0 : i32
      %dma_start3A_36 = tpu.memref_slice %arg9[%add3A_4, %dma_start3A_35] : memref<10240x128xf32, #tpu.memory_space<vmem_shared>> -> memref<128x128xf32, #tpu.memory_space<vmem_shared>>
      tpu.enqueue_dma source(%arg10 : memref<128x128xf32, #tpu.memory_space<vmem>>) target(%dma_start3A_36 : memref<128x128xf32, #tpu.memory_space<vmem_shared>>) target_semaphore(%run_scoped3A : memref<!tpu.dma_semaphore, #tpu.memory_space<semaphore_mem>>)
      %dma_wait3A = arith.constant 0 : i32
      %dma_wait3A_37 = tpu.memref_slice %arg9[%add3A_4, %dma_wait3A] : memref<10240x128xf32, #tpu.memory_space<vmem_shared>> -> memref<128x128xf32, #tpu.memory_space<vmem_shared>>
      %dma_wait3A_38 = arith.constant 0 : i32
      %dma_wait3A_39 = tpu.memref_slice %arg9[%add3A_4, %dma_wait3A_38] : memref<10240x128xf32, #tpu.memory_space<vmem_shared>> -> memref<128x128xf32, #tpu.memory_space<vmem_shared>>
      tpu.wait_dma2 semaphore(%run_scoped3A : memref<!tpu.dma_semaphore, #tpu.memory_space<semaphore_mem>>) src(%arg10 : memref<128x128xf32, #tpu.memory_space<vmem>>) dst(%dma_wait3A_39 : memref<128x128xf32, #tpu.memory_space<vmem_shared>>)
      tpu.yield
    }) : () -> ()
    %mul3A_5 = arith.constant 640 : i32
    %mul3A_6 = arith.muli %arg1, %mul3A_5 : i32
    %add3A_7 = arith.constant 128 : i32
    %add3A_8 = arith.addi %mul3A_6, %add3A_7 : i32
    "tpu.region"() ({
      %run_scoped3A = tpu.sem_alloc : memref<!tpu.dma_semaphore, #tpu.memory_space<semaphore_mem>>
      %dma_start3A = arith.constant 0 : i32
      %dma_start3A_34 = tpu.memref_slice %arg9[%add3A_8, %dma_start3A] : memref<10240x128xf32, #tpu.memory_space<vmem_shared>> -> memref<128x128xf32, #tpu.memory_space<vmem_shared>>
      %dma_start3A_35 = arith.constant 0 : i32
      %dma_start3A_36 = tpu.memref_slice %arg9[%add3A_8, %dma_start3A_35] : memref<10240x128xf32, #tpu.memory_space<vmem_shared>> -> memref<128x128xf32, #tpu.memory_space<vmem_shared>>
      tpu.enqueue_dma source(%arg10 : memref<128x128xf32, #tpu.memory_space<vmem>>) target(%dma_start3A_36 : memref<128x128xf32, #tpu.memory_space<vmem_shared>>) target_semaphore(%run_scoped3A : memref<!tpu.dma_semaphore, #tpu.memory_space<semaphore_mem>>)
      %dma_wait3A = arith.constant 0 : i32
      %dma_wait3A_37 = tpu.memref_slice %arg9[%add3A_8, %dma_wait3A] : memref<10240x128xf32, #tpu.memory_space<vmem_shared>> -> memref<128x128xf32, #tpu.memory_space<vmem_shared>>
      %dma_wait3A_38 = arith.constant 0 : i32
      %dma_wait3A_39 = tpu.memref_slice %arg9[%add3A_8, %dma_wait3A_38] : memref<10240x128xf32, #tpu.memory_space<vmem_shared>> -> memref<128x128xf32, #tpu.memory_space<vmem_shared>>
      tpu.wait_dma2 semaphore(%run_scoped3A : memref<!tpu.dma_semaphore, #tpu.memory_space<semaphore_mem>>) src(%arg10 : memref<128x128xf32, #tpu.memory_space<vmem>>) dst(%dma_wait3A_39 : memref<128x128xf32, #tpu.memory_space<vmem_shared>>)
      tpu.yield
    }) : () -> ()
    %mul3A_9 = arith.constant 640 : i32
    %mul3A_10 = arith.muli %arg1, %mul3A_9 : i32
    %add3A_11 = arith.constant 256 : i32
    %add3A_12 = arith.addi %mul3A_10, %add3A_11 : i32
    "tpu.region"() ({
      %run_scoped3A = tpu.sem_alloc : memref<!tpu.dma_semaphore, #tpu.memory_space<semaphore_mem>>
      %dma_start3A = arith.constant 0 : i32
      %dma_start3A_34 = tpu.memref_slice %arg9[%add3A_12, %dma_start3A] : memref<10240x128xf32, #tpu.memory_space<vmem_shared>> -> memref<128x128xf32, #tpu.memory_space<vmem_shared>>
      %dma_start3A_35 = arith.constant 0 : i32
      %dma_start3A_36 = tpu.memref_slice %arg9[%add3A_12, %dma_start3A_35] : memref<10240x128xf32, #tpu.memory_space<vmem_shared>> -> memref<128x128xf32, #tpu.memory_space<vmem_shared>>
      tpu.enqueue_dma source(%arg10 : memref<128x128xf32, #tpu.memory_space<vmem>>) target(%dma_start3A_36 : memref<128x128xf32, #tpu.memory_space<vmem_shared>>) target_semaphore(%run_scoped3A : memref<!tpu.dma_semaphore, #tpu.memory_space<semaphore_mem>>)
      %dma_wait3A = arith.constant 0 : i32
      %dma_wait3A_37 = tpu.memref_slice %arg9[%add3A_12, %dma_wait3A] : memref<10240x128xf32, #tpu.memory_space<vmem_shared>> -> memref<128x128xf32, #tpu.memory_space<vmem_shared>>
      %dma_wait3A_38 = arith.constant 0 : i32
      %dma_wait3A_39 = tpu.memref_slice %arg9[%add3A_12, %dma_wait3A_38] : memref<10240x128xf32, #tpu.memory_space<vmem_shared>> -> memref<128x128xf32, #tpu.memory_space<vmem_shared>>
      tpu.wait_dma2 semaphore(%run_scoped3A : memref<!tpu.dma_semaphore, #tpu.memory_space<semaphore_mem>>) src(%arg10 : memref<128x128xf32, #tpu.memory_space<vmem>>) dst(%dma_wait3A_39 : memref<128x128xf32, #tpu.memory_space<vmem_shared>>)
      tpu.yield
    }) : () -> ()
    %mul3A_13 = arith.constant 640 : i32
    %mul3A_14 = arith.muli %arg1, %mul3A_13 : i32
    %add3A_15 = arith.constant 384 : i32
    %add3A_16 = arith.addi %mul3A_14, %add3A_15 : i32
    "tpu.region"() ({
      %run_scoped3A = tpu.sem_alloc : memref<!tpu.dma_semaphore, #tpu.memory_space<semaphore_mem>>
      %dma_start3A = arith.constant 0 : i32
      %dma_start3A_34 = tpu.memref_slice %arg9[%add3A_16, %dma_start3A] : memref<10240x128xf32, #tpu.memory_space<vmem_shared>> -> memref<128x128xf32, #tpu.memory_space<vmem_shared>>
      %dma_start3A_35 = arith.constant 0 : i32
      %dma_start3A_36 = tpu.memref_slice %arg9[%add3A_16, %dma_start3A_35] : memref<10240x128xf32, #tpu.memory_space<vmem_shared>> -> memref<128x128xf32, #tpu.memory_space<vmem_shared>>
      tpu.enqueue_dma source(%arg10 : memref<128x128xf32, #tpu.memory_space<vmem>>) target(%dma_start3A_36 : memref<128x128xf32, #tpu.memory_space<vmem_shared>>) target_semaphore(%run_scoped3A : memref<!tpu.dma_semaphore, #tpu.memory_space<semaphore_mem>>)
      %dma_wait3A = arith.constant 0 : i32
      %dma_wait3A_37 = tpu.memref_slice %arg9[%add3A_16, %dma_wait3A] : memref<10240x128xf32, #tpu.memory_space<vmem_shared>> -> memref<128x128xf32, #tpu.memory_space<vmem_shared>>
      %dma_wait3A_38 = arith.constant 0 : i32
      %dma_wait3A_39 = tpu.memref_slice %arg9[%add3A_16, %dma_wait3A_38] : memref<10240x128xf32, #tpu.memory_space<vmem_shared>> -> memref<128x128xf32, #tpu.memory_space<vmem_shared>>
      tpu.wait_dma2 semaphore(%run_scoped3A : memref<!tpu.dma_semaphore, #tpu.memory_space<semaphore_mem>>) src(%arg10 : memref<128x128xf32, #tpu.memory_space<vmem>>) dst(%dma_wait3A_39 : memref<128x128xf32, #tpu.memory_space<vmem_shared>>)
      tpu.yield
    }) : () -> ()
    %mul3A_17 = arith.constant 640 : i32
    %mul3A_18 = arith.muli %arg1, %mul3A_17 : i32
    %add3A_19 = arith.constant 512 : i32
    %add3A_20 = arith.addi %mul3A_18, %add3A_19 : i32
    "tpu.region"() ({
      %run_scoped3A = tpu.sem_alloc : memref<!tpu.dma_semaphore, #tpu.memory_space<semaphore_mem>>
      %dma_start3A = arith.constant 0 : i32
      %dma_start3A_34 = tpu.memref_slice %arg9[%add3A_20, %dma_start3A] : memref<10240x128xf32, #tpu.memory_space<vmem_shared>> -> memref<128x128xf32, #tpu.memory_space<vmem_shared>>
      %dma_start3A_35 = arith.constant 0 : i32
      %dma_start3A_36 = tpu.memref_slice %arg9[%add3A_20, %dma_start3A_35] : memref<10240x128xf32, #tpu.memory_space<vmem_shared>> -> memref<128x128xf32, #tpu.memory_space<vmem_shared>>
      tpu.enqueue_dma source(%arg10 : memref<128x128xf32, #tpu.memory_space<vmem>>) target(%dma_start3A_36 : memref<128x128xf32, #tpu.memory_space<vmem_shared>>) target_semaphore(%run_scoped3A : memref<!tpu.dma_semaphore, #tpu.memory_space<semaphore_mem>>)
      %dma_wait3A = arith.constant 0 : i32
      %dma_wait3A_37 = tpu.memref_slice %arg9[%add3A_20, %dma_wait3A] : memref<10240x128xf32, #tpu.memory_space<vmem_shared>> -> memref<128x128xf32, #tpu.memory_space<vmem_shared>>
      %dma_wait3A_38 = arith.constant 0 : i32
      %dma_wait3A_39 = tpu.memref_slice %arg9[%add3A_20, %dma_wait3A_38] : memref<10240x128xf32, #tpu.memory_space<vmem_shared>> -> memref<128x128xf32, #tpu.memory_space<vmem_shared>>
      tpu.wait_dma2 semaphore(%run_scoped3A : memref<!tpu.dma_semaphore, #tpu.memory_space<semaphore_mem>>) src(%arg10 : memref<128x128xf32, #tpu.memory_space<vmem>>) dst(%dma_wait3A_39 : memref<128x128xf32, #tpu.memory_space<vmem_shared>>)
      tpu.yield
    }) : () -> ()
    "tpu.region"() ({
      %run_scoped3A = tpu.sem_alloc : memref<!tpu.dma_semaphore, #tpu.memory_space<semaphore_mem>>
      %dma_start3A = arith.constant 0 : i32
      %dma_start3A_34 = arith.constant 0 : i32
      %dma_start3A_35 = tpu.memref_slice %arg3[%add3A, %dma_start3A, %dma_start3A_34] : memref<32x40x128xi32, #tpu.memory_space<hbm>> -> memref<1x40x128xi32, #tpu.memory_space<hbm>>
      %dma_start3A_36 = tpu.memref_squeeze %dma_start3A_35 : memref<1x40x128xi32, #tpu.memory_space<hbm>> -> memref<40x128xi32, #tpu.memory_space<hbm>>
      %dma_start3A_37 = arith.constant 0 : i32
      %dma_start3A_38 = arith.constant 0 : i32
      %dma_start3A_39 = tpu.memref_slice %arg3[%add3A, %dma_start3A_37, %dma_start3A_38] : memref<32x40x128xi32, #tpu.memory_space<hbm>> -> memref<1x40x128xi32, #tpu.memory_space<hbm>>
      %dma_start3A_40 = tpu.memref_squeeze %dma_start3A_39 : memref<1x40x128xi32, #tpu.memory_space<hbm>> -> memref<40x128xi32, #tpu.memory_space<hbm>>
      tpu.enqueue_dma source(%dma_start3A_40 : memref<40x128xi32, #tpu.memory_space<hbm>>) target(%arg7 : memref<40x128xi32, #tpu.memory_space<vmem>>) target_semaphore(%run_scoped3A : memref<!tpu.dma_semaphore, #tpu.memory_space<semaphore_mem>>)
      %dma_wait3A = arith.constant 0 : i32
      %dma_wait3A_41 = arith.constant 0 : i32
      %dma_wait3A_42 = tpu.memref_slice %arg3[%add3A, %dma_wait3A, %dma_wait3A_41] : memref<32x40x128xi32, #tpu.memory_space<hbm>> -> memref<1x40x128xi32, #tpu.memory_space<hbm>>
      %dma_wait3A_43 = tpu.memref_squeeze %dma_wait3A_42 : memref<1x40x128xi32, #tpu.memory_space<hbm>> -> memref<40x128xi32, #tpu.memory_space<hbm>>
      %dma_wait3A_44 = arith.constant 0 : i32
      %dma_wait3A_45 = arith.constant 0 : i32
      %dma_wait3A_46 = tpu.memref_slice %arg3[%add3A, %dma_wait3A_44, %dma_wait3A_45] : memref<32x40x128xi32, #tpu.memory_space<hbm>> -> memref<1x40x128xi32, #tpu.memory_space<hbm>>
      %dma_wait3A_47 = tpu.memref_squeeze %dma_wait3A_46 : memref<1x40x128xi32, #tpu.memory_space<hbm>> -> memref<40x128xi32, #tpu.memory_space<hbm>>
      tpu.wait_dma2 semaphore(%run_scoped3A : memref<!tpu.dma_semaphore, #tpu.memory_space<semaphore_mem>>) src(%dma_wait3A_47 : memref<40x128xi32, #tpu.memory_space<hbm>>) dst(%arg7 : memref<40x128xi32, #tpu.memory_space<vmem>>)
      tpu.yield
    }) : () -> ()
    "tpu.region"() ({
      %run_scoped3A = tpu.sem_alloc : memref<!tpu.dma_semaphore, #tpu.memory_space<semaphore_mem>>
      %dma_start3A = arith.constant 0 : i32
      %dma_start3A_34 = arith.constant 0 : i32
      %dma_start3A_35 = tpu.memref_slice %arg4[%add3A, %dma_start3A, %dma_start3A_34] : memref<32x40x128xi32, #tpu.memory_space<hbm>> -> memref<1x40x128xi32, #tpu.memory_space<hbm>>
      %dma_start3A_36 = tpu.memref_squeeze %dma_start3A_35 : memref<1x40x128xi32, #tpu.memory_space<hbm>> -> memref<40x128xi32, #tpu.memory_space<hbm>>
      %dma_start3A_37 = arith.constant 0 : i32
      %dma_start3A_38 = arith.constant 0 : i32
      %dma_start3A_39 = tpu.memref_slice %arg4[%add3A, %dma_start3A_37, %dma_start3A_38] : memref<32x40x128xi32, #tpu.memory_space<hbm>> -> memref<1x40x128xi32, #tpu.memory_space<hbm>>
      %dma_start3A_40 = tpu.memref_squeeze %dma_start3A_39 : memref<1x40x128xi32, #tpu.memory_space<hbm>> -> memref<40x128xi32, #tpu.memory_space<hbm>>
      tpu.enqueue_dma source(%dma_start3A_40 : memref<40x128xi32, #tpu.memory_space<hbm>>) target(%arg8 : memref<40x128xi32, #tpu.memory_space<vmem>>) target_semaphore(%run_scoped3A : memref<!tpu.dma_semaphore, #tpu.memory_space<semaphore_mem>>)
      %dma_wait3A = arith.constant 0 : i32
      %dma_wait3A_41 = arith.constant 0 : i32
      %dma_wait3A_42 = tpu.memref_slice %arg4[%add3A, %dma_wait3A, %dma_wait3A_41] : memref<32x40x128xi32, #tpu.memory_space<hbm>> -> memref<1x40x128xi32, #tpu.memory_space<hbm>>
      %dma_wait3A_43 = tpu.memref_squeeze %dma_wait3A_42 : memref<1x40x128xi32, #tpu.memory_space<hbm>> -> memref<40x128xi32, #tpu.memory_space<hbm>>
      %dma_wait3A_44 = arith.constant 0 : i32
      %dma_wait3A_45 = arith.constant 0 : i32
      %dma_wait3A_46 = tpu.memref_slice %arg4[%add3A, %dma_wait3A_44, %dma_wait3A_45] : memref<32x40x128xi32, #tpu.memory_space<hbm>> -> memref<1x40x128xi32, #tpu.memory_space<hbm>>
      %dma_wait3A_47 = tpu.memref_squeeze %dma_wait3A_46 : memref<1x40x128xi32, #tpu.memory_space<hbm>> -> memref<40x128xi32, #tpu.memory_space<hbm>>
      tpu.wait_dma2 semaphore(%run_scoped3A : memref<!tpu.dma_semaphore, #tpu.memory_space<semaphore_mem>>) src(%dma_wait3A_47 : memref<40x128xi32, #tpu.memory_space<hbm>>) dst(%arg8 : memref<40x128xi32, #tpu.memory_space<vmem>>)
      tpu.yield
    }) : () -> ()
    %barrier3A = arith.constant 0 : index
    tpu.barrier barrier_id(%barrier3A)
    %scan3A = arith.constant 0 : i32
    %scan3A_21 = arith.constant 0 : i32
    %scan3A_22 = arith.constant 20 : i32
    %scan3A_23 = arith.addi %scan3A_21, %scan3A_22 : i32
    %scan3A_24 = arith.constant 1 : i32
    scf.for %scan3A_34 = %scan3A_21 to %scan3A_23 step %scan3A_24  : i32 {
      %mul3A_35 = arith.constant 2 : i32
      %mul3A_36 = arith.muli %scan3A_34, %mul3A_35 : i32
      %add3A_37 = arith.constant 0 : i32
      %add3A_38 = arith.addi %mul3A_36, %add3A_37 : i32
      %dma_start3A = arith.constant 0 : i32
      %dma_start3A_39 = tpu.memref_slice %arg7[%add3A_38, %dma_start3A] : memref<40x128xi32, #tpu.memory_space<vmem>> -> memref<1x128xi32, #tpu.memory_space<vmem>>
      %dma_start3A_40 = tpu.memref_squeeze %dma_start3A_39 : memref<1x128xi32, #tpu.memory_space<vmem>> -> memref<128xi32, #tpu.memory_space<vmem>>
      %dma_start3A_41 = arith.constant 0 : i32
      %dma_start3A_42 = arith.constant 0 : i32
      %dma_start3A_43 = tpu.memref_slice %arg2[%dma_start3A_41, %dma_start3A_42] : memref<10000x128xf32, #tpu.memory_space<hbm>> -> memref<10000x128xf32, #tpu.memory_space<hbm>>
      tpu.enqueue_indirect_dma source(%dma_start3A_43 : memref<10000x128xf32, #tpu.memory_space<hbm>>) target(%arg10 : memref<128x128xf32, #tpu.memory_space<vmem>>) offsets(%dma_start3A_40 : memref<128xi32, #tpu.memory_space<vmem>>) semaphore(%arg12 : memref<!tpu.dma_semaphore, #tpu.memory_space<semaphore_mem>>)
      %dma_wait3A = arith.constant 0 : i32
      %dma_wait3A_44 = tpu.memref_slice %arg7[%add3A_38, %dma_wait3A] : memref<40x128xi32, #tpu.memory_space<vmem>> -> memref<1x128xi32, #tpu.memory_space<vmem>>
      %dma_wait3A_45 = tpu.memref_squeeze %dma_wait3A_44 : memref<1x128xi32, #tpu.memory_space<vmem>> -> memref<128xi32, #tpu.memory_space<vmem>>
      %dma_wait3A_46 = arith.constant 0 : i32
      %dma_wait3A_47 = arith.constant 0 : i32
      %dma_wait3A_48 = tpu.memref_slice %arg2[%dma_wait3A_46, %dma_wait3A_47] : memref<10000x128xf32, #tpu.memory_space<hbm>> -> memref<10000x128xf32, #tpu.memory_space<hbm>>
      tpu.wait_indirect_dma semaphore(%arg12 : memref<!tpu.dma_semaphore, #tpu.memory_space<semaphore_mem>>) src(%dma_wait3A_48 : memref<10000x128xf32, #tpu.memory_space<hbm>>) dst(%arg10 : memref<128x128xf32, #tpu.memory_space<vmem>>)
      "tpu.region"() ({
        %run_scoped3A = tpu.sem_alloc : memref<!tpu.dma_semaphore, #tpu.memory_space<semaphore_mem>>
        %dma_start3A_63 = arith.constant 0 : i32
        %dma_start3A_64 = tpu.memref_slice %arg8[%add3A_38, %dma_start3A_63] : memref<40x128xi32, #tpu.memory_space<vmem>> -> memref<1x128xi32, #tpu.memory_space<vmem>>
        %dma_start3A_65 = tpu.memref_squeeze %dma_start3A_64 : memref<1x128xi32, #tpu.memory_space<vmem>> -> memref<128xi32, #tpu.memory_space<vmem>>
        %dma_start3A_66 = arith.constant 0 : i32
        %dma_start3A_67 = arith.constant 0 : i32
        %dma_start3A_68 = tpu.memref_slice %arg9[%dma_start3A_66, %dma_start3A_67] : memref<10240x128xf32, #tpu.memory_space<vmem_shared>> -> memref<10240x128xf32, #tpu.memory_space<vmem_shared>>
        tpu.enqueue_indirect_dma source(%arg10 : memref<128x128xf32, #tpu.memory_space<vmem>>) target(%dma_start3A_68 : memref<10240x128xf32, #tpu.memory_space<vmem_shared>>) offsets(%dma_start3A_65 : memref<128xi32, #tpu.memory_space<vmem>>) semaphore(%run_scoped3A : memref<!tpu.dma_semaphore, #tpu.memory_space<semaphore_mem>>) {add = true}
        %dma_wait3A_69 = arith.constant 0 : i32
        %dma_wait3A_70 = tpu.memref_slice %arg8[%add3A_38, %dma_wait3A_69] : memref<40x128xi32, #tpu.memory_space<vmem>> -> memref<1x128xi32, #tpu.memory_space<vmem>>
        %dma_wait3A_71 = tpu.memref_squeeze %dma_wait3A_70 : memref<1x128xi32, #tpu.memory_space<vmem>> -> memref<128xi32, #tpu.memory_space<vmem>>
        %dma_wait3A_72 = arith.constant 0 : i32
        %dma_wait3A_73 = arith.constant 0 : i32
        %dma_wait3A_74 = tpu.memref_slice %arg9[%dma_wait3A_72, %dma_wait3A_73] : memref<10240x128xf32, #tpu.memory_space<vmem_shared>> -> memref<10240x128xf32, #tpu.memory_space<vmem_shared>>
        tpu.wait_indirect_dma semaphore(%run_scoped3A : memref<!tpu.dma_semaphore, #tpu.memory_space<semaphore_mem>>) src(%arg10 : memref<128x128xf32, #tpu.memory_space<vmem>>) dst(%dma_wait3A_74 : memref<10240x128xf32, #tpu.memory_space<vmem_shared>>)
        tpu.yield
      }) : () -> ()
      %add3A_49 = arith.constant 1 : i32
      %add3A_50 = arith.addi %mul3A_36, %add3A_49 : i32
      %dma_start3A_51 = arith.constant 0 : i32
      %dma_start3A_52 = tpu.memref_slice %arg7[%add3A_50, %dma_start3A_51] : memref<40x128xi32, #tpu.memory_space<vmem>> -> memref<1x128xi32, #tpu.memory_space<vmem>>
      %dma_start3A_53 = tpu.memref_squeeze %dma_start3A_52 : memref<1x128xi32, #tpu.memory_space<vmem>> -> memref<128xi32, #tpu.memory_space<vmem>>
      %dma_start3A_54 = arith.constant 0 : i32
      %dma_start3A_55 = arith.constant 0 : i32
      %dma_start3A_56 = tpu.memref_slice %arg2[%dma_start3A_54, %dma_start3A_55] : memref<10000x128xf32, #tpu.memory_space<hbm>> -> memref<10000x128xf32, #tpu.memory_space<hbm>>
      tpu.enqueue_indirect_dma source(%dma_start3A_56 : memref<10000x128xf32, #tpu.memory_space<hbm>>) target(%arg11 : memref<128x128xf32, #tpu.memory_space<vmem>>) offsets(%dma_start3A_53 : memref<128xi32, #tpu.memory_space<vmem>>) semaphore(%arg13 : memref<!tpu.dma_semaphore, #tpu.memory_space<semaphore_mem>>)
      %dma_wait3A_57 = arith.constant 0 : i32
      %dma_wait3A_58 = tpu.memref_slice %arg7[%add3A_50, %dma_wait3A_57] : memref<40x128xi32, #tpu.memory_space<vmem>> -> memref<1x128xi32, #tpu.memory_space<vmem>>
      %dma_wait3A_59 = tpu.memref_squeeze %dma_wait3A_58 : memref<1x128xi32, #tpu.memory_space<vmem>> -> memref<128xi32, #tpu.memory_space<vmem>>
      %dma_wait3A_60 = arith.constant 0 : i32
      %dma_wait3A_61 = arith.constant 0 : i32
      %dma_wait3A_62 = tpu.memref_slice %arg2[%dma_wait3A_60, %dma_wait3A_61] : memref<10000x128xf32, #tpu.memory_space<hbm>> -> memref<10000x128xf32, #tpu.memory_space<hbm>>
      tpu.wait_indirect_dma semaphore(%arg13 : memref<!tpu.dma_semaphore, #tpu.memory_space<semaphore_mem>>) src(%dma_wait3A_62 : memref<10000x128xf32, #tpu.memory_space<hbm>>) dst(%arg11 : memref<128x128xf32, #tpu.memory_space<vmem>>)
      "tpu.region"() ({
        %run_scoped3A = tpu.sem_alloc : memref<!tpu.dma_semaphore, #tpu.memory_space<semaphore_mem>>
        %dma_start3A_63 = arith.constant 0 : i32
        %dma_start3A_64 = tpu.memref_slice %arg8[%add3A_50, %dma_start3A_63] : memref<40x128xi32, #tpu.memory_space<vmem>> -> memref<1x128xi32, #tpu.memory_space<vmem>>
        %dma_start3A_65 = tpu.memref_squeeze %dma_start3A_64 : memref<1x128xi32, #tpu.memory_space<vmem>> -> memref<128xi32, #tpu.memory_space<vmem>>
        %dma_start3A_66 = arith.constant 0 : i32
        %dma_start3A_67 = arith.constant 0 : i32
        %dma_start3A_68 = tpu.memref_slice %arg9[%dma_start3A_66, %dma_start3A_67] : memref<10240x128xf32, #tpu.memory_space<vmem_shared>> -> memref<10240x128xf32, #tpu.memory_space<vmem_shared>>
        tpu.enqueue_indirect_dma source(%arg11 : memref<128x128xf32, #tpu.memory_space<vmem>>) target(%dma_start3A_68 : memref<10240x128xf32, #tpu.memory_space<vmem_shared>>) offsets(%dma_start3A_65 : memref<128xi32, #tpu.memory_space<vmem>>) semaphore(%run_scoped3A : memref<!tpu.dma_semaphore, #tpu.memory_space<semaphore_mem>>) {add = true}
        %dma_wait3A_69 = arith.constant 0 : i32
        %dma_wait3A_70 = tpu.memref_slice %arg8[%add3A_50, %dma_wait3A_69] : memref<40x128xi32, #tpu.memory_space<vmem>> -> memref<1x128xi32, #tpu.memory_space<vmem>>
        %dma_wait3A_71 = tpu.memref_squeeze %dma_wait3A_70 : memref<1x128xi32, #tpu.memory_space<vmem>> -> memref<128xi32, #tpu.memory_space<vmem>>
        %dma_wait3A_72 = arith.constant 0 : i32
        %dma_wait3A_73 = arith.constant 0 : i32
        %dma_wait3A_74 = tpu.memref_slice %arg9[%dma_wait3A_72, %dma_wait3A_73] : memref<10240x128xf32, #tpu.memory_space<vmem_shared>> -> memref<10240x128xf32, #tpu.memory_space<vmem_shared>>
        tpu.wait_indirect_dma semaphore(%run_scoped3A : memref<!tpu.dma_semaphore, #tpu.memory_space<semaphore_mem>>) src(%arg11 : memref<128x128xf32, #tpu.memory_space<vmem>>) dst(%dma_wait3A_74 : memref<10240x128xf32, #tpu.memory_space<vmem_shared>>)
        tpu.yield
      }) : () -> ()
    }
    %scan3A_25 = arith.constant 20 : i32
    %barrier3A_26 = arith.constant 0 : index
    tpu.barrier barrier_id(%barrier3A_26)
    %mul3A_27 = arith.constant 640 : i32
    %mul3A_28 = arith.muli %arg1, %mul3A_27 : i32
    %mul3A_29 = arith.constant 10240 : i32
    %mul3A_30 = arith.muli %arg0, %mul3A_29 : i32
    %mul3A_31 = arith.constant 640 : i32
    %mul3A_32 = arith.muli %arg1, %mul3A_31 : i32
    %add3A_33 = arith.addi %mul3A_30, %mul3A_32 : i32
    "tpu.region"() ({
      %run_scoped3A = tpu.sem_alloc : memref<!tpu.dma_semaphore, #tpu.memory_space<semaphore_mem>>
      %dma_start3A = arith.constant 0 : i32
      %dma_start3A_34 = tpu.memref_slice %arg6[%add3A_33, %dma_start3A] : memref<20480x128xf32, #tpu.memory_space<hbm>> -> memref<640x128xf32, #tpu.memory_space<hbm>>
      %dma_start3A_35 = arith.constant 0 : i32
      %dma_start3A_36 = tpu.memref_slice %arg9[%mul3A_28, %dma_start3A_35] : memref<10240x128xf32, #tpu.memory_space<vmem_shared>> -> memref<640x128xf32, #tpu.memory_space<vmem_shared>>
      tpu.enqueue_dma source(%dma_start3A_36 : memref<640x128xf32, #tpu.memory_space<vmem_shared>>) target(%dma_start3A_34 : memref<640x128xf32, #tpu.memory_space<hbm>>) target_semaphore(%run_scoped3A : memref<!tpu.dma_semaphore, #tpu.memory_space<semaphore_mem>>)
      %dma_wait3A = arith.constant 0 : i32
      %dma_wait3A_37 = tpu.memref_slice %arg6[%add3A_33, %dma_wait3A] : memref<20480x128xf32, #tpu.memory_space<hbm>> -> memref<640x128xf32, #tpu.memory_space<hbm>>
      %dma_wait3A_38 = arith.constant 0 : i32
      %dma_wait3A_39 = tpu.memref_slice %arg9[%mul3A_28, %dma_wait3A_38] : memref<10240x128xf32, #tpu.memory_space<vmem_shared>> -> memref<640x128xf32, #tpu.memory_space<vmem_shared>>
      tpu.wait_dma2 semaphore(%run_scoped3A : memref<!tpu.dma_semaphore, #tpu.memory_space<semaphore_mem>>) src(%dma_wait3A_39 : memref<640x128xf32, #tpu.memory_space<vmem_shared>>) dst(%dma_wait3A_37 : memref<640x128xf32, #tpu.memory_space<hbm>>)
      tpu.yield
    }) : () -> ()
    return
  }
}

#map = affine_map<(d0, d1) -> (0, 0, 0)>
#map1 = affine_map<(d0, d1) -> (0, 0)>
module attributes {stable_mosaic.version = 14 : i64} {
  func.func @degk(%arg0: i32, %arg1: i32, %arg2: memref<32x40x128xi32, #tpu.memory_space<hbm>>, %arg3: memref<128x128xf32, #tpu.memory_space<hbm>>, %arg4: memref<128x128xf32, #tpu.memory_space<hbm>>, %arg5: memref<20480x128xf32, #tpu.memory_space<hbm>>, %arg6: memref<40x128xi32, #tpu.memory_space<vmem>>, %arg7: memref<128x128xf32, #tpu.memory_space<vmem>>, %arg8: memref<10240x128xf32, #tpu.memory_space<vmem_shared>>) attributes {dimension_semantics = [#tpu.dimension_semantics<core_parallel>, #tpu.dimension_semantics<subcore_parallel>], iteration_bounds = array<i64: 2, 16>, scalar_prefetch = 0 : i64, scratch_operands = 3 : i64, tpu.core_type = #tpu.core_type<sc_vector_subcore>, window_params = [{transform_indices = #map}, {transform_indices = #map1}, {transform_indices = #map1}, {transform_indices = #map1}]} {
    %mul3A = arith.constant 16 : i32
    %mul3A_0 = arith.muli %arg0, %mul3A : i32
    %add3A = arith.addi %mul3A_0, %arg1 : i32
    "tpu.region"() ({
      %run_scoped3A = tpu.sem_alloc : memref<!tpu.dma_semaphore, #tpu.memory_space<semaphore_mem>>
      tpu.enqueue_dma source(%arg3 : memref<128x128xf32, #tpu.memory_space<hbm>>) target(%arg7 : memref<128x128xf32, #tpu.memory_space<vmem>>) target_semaphore(%run_scoped3A : memref<!tpu.dma_semaphore, #tpu.memory_space<semaphore_mem>>)
      tpu.wait_dma2 semaphore(%run_scoped3A : memref<!tpu.dma_semaphore, #tpu.memory_space<semaphore_mem>>) src(%arg3 : memref<128x128xf32, #tpu.memory_space<hbm>>) dst(%arg7 : memref<128x128xf32, #tpu.memory_space<vmem>>)
      tpu.yield
    }) : () -> ()
    %mul3A_1 = arith.constant 640 : i32
    %mul3A_2 = arith.muli %arg1, %mul3A_1 : i32
    %add3A_3 = arith.constant 0 : i32
    %add3A_4 = arith.addi %mul3A_2, %add3A_3 : i32
    "tpu.region"() ({
      %run_scoped3A = tpu.sem_alloc : memref<!tpu.dma_semaphore, #tpu.memory_space<semaphore_mem>>
      %dma_start3A = arith.constant 0 : i32
      %dma_start3A_34 = tpu.memref_slice %arg8[%add3A_4, %dma_start3A] : memref<10240x128xf32, #tpu.memory_space<vmem_shared>> -> memref<128x128xf32, #tpu.memory_space<vmem_shared>>
      %dma_start3A_35 = arith.constant 0 : i32
      %dma_start3A_36 = tpu.memref_slice %arg8[%add3A_4, %dma_start3A_35] : memref<10240x128xf32, #tpu.memory_space<vmem_shared>> -> memref<128x128xf32, #tpu.memory_space<vmem_shared>>
      tpu.enqueue_dma source(%arg7 : memref<128x128xf32, #tpu.memory_space<vmem>>) target(%dma_start3A_36 : memref<128x128xf32, #tpu.memory_space<vmem_shared>>) target_semaphore(%run_scoped3A : memref<!tpu.dma_semaphore, #tpu.memory_space<semaphore_mem>>)
      %dma_wait3A = arith.constant 0 : i32
      %dma_wait3A_37 = tpu.memref_slice %arg8[%add3A_4, %dma_wait3A] : memref<10240x128xf32, #tpu.memory_space<vmem_shared>> -> memref<128x128xf32, #tpu.memory_space<vmem_shared>>
      %dma_wait3A_38 = arith.constant 0 : i32
      %dma_wait3A_39 = tpu.memref_slice %arg8[%add3A_4, %dma_wait3A_38] : memref<10240x128xf32, #tpu.memory_space<vmem_shared>> -> memref<128x128xf32, #tpu.memory_space<vmem_shared>>
      tpu.wait_dma2 semaphore(%run_scoped3A : memref<!tpu.dma_semaphore, #tpu.memory_space<semaphore_mem>>) src(%arg7 : memref<128x128xf32, #tpu.memory_space<vmem>>) dst(%dma_wait3A_39 : memref<128x128xf32, #tpu.memory_space<vmem_shared>>)
      tpu.yield
    }) : () -> ()
    %mul3A_5 = arith.constant 640 : i32
    %mul3A_6 = arith.muli %arg1, %mul3A_5 : i32
    %add3A_7 = arith.constant 128 : i32
    %add3A_8 = arith.addi %mul3A_6, %add3A_7 : i32
    "tpu.region"() ({
      %run_scoped3A = tpu.sem_alloc : memref<!tpu.dma_semaphore, #tpu.memory_space<semaphore_mem>>
      %dma_start3A = arith.constant 0 : i32
      %dma_start3A_34 = tpu.memref_slice %arg8[%add3A_8, %dma_start3A] : memref<10240x128xf32, #tpu.memory_space<vmem_shared>> -> memref<128x128xf32, #tpu.memory_space<vmem_shared>>
      %dma_start3A_35 = arith.constant 0 : i32
      %dma_start3A_36 = tpu.memref_slice %arg8[%add3A_8, %dma_start3A_35] : memref<10240x128xf32, #tpu.memory_space<vmem_shared>> -> memref<128x128xf32, #tpu.memory_space<vmem_shared>>
      tpu.enqueue_dma source(%arg7 : memref<128x128xf32, #tpu.memory_space<vmem>>) target(%dma_start3A_36 : memref<128x128xf32, #tpu.memory_space<vmem_shared>>) target_semaphore(%run_scoped3A : memref<!tpu.dma_semaphore, #tpu.memory_space<semaphore_mem>>)
      %dma_wait3A = arith.constant 0 : i32
      %dma_wait3A_37 = tpu.memref_slice %arg8[%add3A_8, %dma_wait3A] : memref<10240x128xf32, #tpu.memory_space<vmem_shared>> -> memref<128x128xf32, #tpu.memory_space<vmem_shared>>
      %dma_wait3A_38 = arith.constant 0 : i32
      %dma_wait3A_39 = tpu.memref_slice %arg8[%add3A_8, %dma_wait3A_38] : memref<10240x128xf32, #tpu.memory_space<vmem_shared>> -> memref<128x128xf32, #tpu.memory_space<vmem_shared>>
      tpu.wait_dma2 semaphore(%run_scoped3A : memref<!tpu.dma_semaphore, #tpu.memory_space<semaphore_mem>>) src(%arg7 : memref<128x128xf32, #tpu.memory_space<vmem>>) dst(%dma_wait3A_39 : memref<128x128xf32, #tpu.memory_space<vmem_shared>>)
      tpu.yield
    }) : () -> ()
    %mul3A_9 = arith.constant 640 : i32
    %mul3A_10 = arith.muli %arg1, %mul3A_9 : i32
    %add3A_11 = arith.constant 256 : i32
    %add3A_12 = arith.addi %mul3A_10, %add3A_11 : i32
    "tpu.region"() ({
      %run_scoped3A = tpu.sem_alloc : memref<!tpu.dma_semaphore, #tpu.memory_space<semaphore_mem>>
      %dma_start3A = arith.constant 0 : i32
      %dma_start3A_34 = tpu.memref_slice %arg8[%add3A_12, %dma_start3A] : memref<10240x128xf32, #tpu.memory_space<vmem_shared>> -> memref<128x128xf32, #tpu.memory_space<vmem_shared>>
      %dma_start3A_35 = arith.constant 0 : i32
      %dma_start3A_36 = tpu.memref_slice %arg8[%add3A_12, %dma_start3A_35] : memref<10240x128xf32, #tpu.memory_space<vmem_shared>> -> memref<128x128xf32, #tpu.memory_space<vmem_shared>>
      tpu.enqueue_dma source(%arg7 : memref<128x128xf32, #tpu.memory_space<vmem>>) target(%dma_start3A_36 : memref<128x128xf32, #tpu.memory_space<vmem_shared>>) target_semaphore(%run_scoped3A : memref<!tpu.dma_semaphore, #tpu.memory_space<semaphore_mem>>)
      %dma_wait3A = arith.constant 0 : i32
      %dma_wait3A_37 = tpu.memref_slice %arg8[%add3A_12, %dma_wait3A] : memref<10240x128xf32, #tpu.memory_space<vmem_shared>> -> memref<128x128xf32, #tpu.memory_space<vmem_shared>>
      %dma_wait3A_38 = arith.constant 0 : i32
      %dma_wait3A_39 = tpu.memref_slice %arg8[%add3A_12, %dma_wait3A_38] : memref<10240x128xf32, #tpu.memory_space<vmem_shared>> -> memref<128x128xf32, #tpu.memory_space<vmem_shared>>
      tpu.wait_dma2 semaphore(%run_scoped3A : memref<!tpu.dma_semaphore, #tpu.memory_space<semaphore_mem>>) src(%arg7 : memref<128x128xf32, #tpu.memory_space<vmem>>) dst(%dma_wait3A_39 : memref<128x128xf32, #tpu.memory_space<vmem_shared>>)
      tpu.yield
    }) : () -> ()
    %mul3A_13 = arith.constant 640 : i32
    %mul3A_14 = arith.muli %arg1, %mul3A_13 : i32
    %add3A_15 = arith.constant 384 : i32
    %add3A_16 = arith.addi %mul3A_14, %add3A_15 : i32
    "tpu.region"() ({
      %run_scoped3A = tpu.sem_alloc : memref<!tpu.dma_semaphore, #tpu.memory_space<semaphore_mem>>
      %dma_start3A = arith.constant 0 : i32
      %dma_start3A_34 = tpu.memref_slice %arg8[%add3A_16, %dma_start3A] : memref<10240x128xf32, #tpu.memory_space<vmem_shared>> -> memref<128x128xf32, #tpu.memory_space<vmem_shared>>
      %dma_start3A_35 = arith.constant 0 : i32
      %dma_start3A_36 = tpu.memref_slice %arg8[%add3A_16, %dma_start3A_35] : memref<10240x128xf32, #tpu.memory_space<vmem_shared>> -> memref<128x128xf32, #tpu.memory_space<vmem_shared>>
      tpu.enqueue_dma source(%arg7 : memref<128x128xf32, #tpu.memory_space<vmem>>) target(%dma_start3A_36 : memref<128x128xf32, #tpu.memory_space<vmem_shared>>) target_semaphore(%run_scoped3A : memref<!tpu.dma_semaphore, #tpu.memory_space<semaphore_mem>>)
      %dma_wait3A = arith.constant 0 : i32
      %dma_wait3A_37 = tpu.memref_slice %arg8[%add3A_16, %dma_wait3A] : memref<10240x128xf32, #tpu.memory_space<vmem_shared>> -> memref<128x128xf32, #tpu.memory_space<vmem_shared>>
      %dma_wait3A_38 = arith.constant 0 : i32
      %dma_wait3A_39 = tpu.memref_slice %arg8[%add3A_16, %dma_wait3A_38] : memref<10240x128xf32, #tpu.memory_space<vmem_shared>> -> memref<128x128xf32, #tpu.memory_space<vmem_shared>>
      tpu.wait_dma2 semaphore(%run_scoped3A : memref<!tpu.dma_semaphore, #tpu.memory_space<semaphore_mem>>) src(%arg7 : memref<128x128xf32, #tpu.memory_space<vmem>>) dst(%dma_wait3A_39 : memref<128x128xf32, #tpu.memory_space<vmem_shared>>)
      tpu.yield
    }) : () -> ()
    %mul3A_17 = arith.constant 640 : i32
    %mul3A_18 = arith.muli %arg1, %mul3A_17 : i32
    %add3A_19 = arith.constant 512 : i32
    %add3A_20 = arith.addi %mul3A_18, %add3A_19 : i32
    "tpu.region"() ({
      %run_scoped3A = tpu.sem_alloc : memref<!tpu.dma_semaphore, #tpu.memory_space<semaphore_mem>>
      %dma_start3A = arith.constant 0 : i32
      %dma_start3A_34 = tpu.memref_slice %arg8[%add3A_20, %dma_start3A] : memref<10240x128xf32, #tpu.memory_space<vmem_shared>> -> memref<128x128xf32, #tpu.memory_space<vmem_shared>>
      %dma_start3A_35 = arith.constant 0 : i32
      %dma_start3A_36 = tpu.memref_slice %arg8[%add3A_20, %dma_start3A_35] : memref<10240x128xf32, #tpu.memory_space<vmem_shared>> -> memref<128x128xf32, #tpu.memory_space<vmem_shared>>
      tpu.enqueue_dma source(%arg7 : memref<128x128xf32, #tpu.memory_space<vmem>>) target(%dma_start3A_36 : memref<128x128xf32, #tpu.memory_space<vmem_shared>>) target_semaphore(%run_scoped3A : memref<!tpu.dma_semaphore, #tpu.memory_space<semaphore_mem>>)
      %dma_wait3A = arith.constant 0 : i32
      %dma_wait3A_37 = tpu.memref_slice %arg8[%add3A_20, %dma_wait3A] : memref<10240x128xf32, #tpu.memory_space<vmem_shared>> -> memref<128x128xf32, #tpu.memory_space<vmem_shared>>
      %dma_wait3A_38 = arith.constant 0 : i32
      %dma_wait3A_39 = tpu.memref_slice %arg8[%add3A_20, %dma_wait3A_38] : memref<10240x128xf32, #tpu.memory_space<vmem_shared>> -> memref<128x128xf32, #tpu.memory_space<vmem_shared>>
      tpu.wait_dma2 semaphore(%run_scoped3A : memref<!tpu.dma_semaphore, #tpu.memory_space<semaphore_mem>>) src(%arg7 : memref<128x128xf32, #tpu.memory_space<vmem>>) dst(%dma_wait3A_39 : memref<128x128xf32, #tpu.memory_space<vmem_shared>>)
      tpu.yield
    }) : () -> ()
    "tpu.region"() ({
      %run_scoped3A = tpu.sem_alloc : memref<!tpu.dma_semaphore, #tpu.memory_space<semaphore_mem>>
      tpu.enqueue_dma source(%arg4 : memref<128x128xf32, #tpu.memory_space<hbm>>) target(%arg7 : memref<128x128xf32, #tpu.memory_space<vmem>>) target_semaphore(%run_scoped3A : memref<!tpu.dma_semaphore, #tpu.memory_space<semaphore_mem>>)
      tpu.wait_dma2 semaphore(%run_scoped3A : memref<!tpu.dma_semaphore, #tpu.memory_space<semaphore_mem>>) src(%arg4 : memref<128x128xf32, #tpu.memory_space<hbm>>) dst(%arg7 : memref<128x128xf32, #tpu.memory_space<vmem>>)
      tpu.yield
    }) : () -> ()
    "tpu.region"() ({
      %run_scoped3A = tpu.sem_alloc : memref<!tpu.dma_semaphore, #tpu.memory_space<semaphore_mem>>
      %dma_start3A = arith.constant 0 : i32
      %dma_start3A_34 = arith.constant 0 : i32
      %dma_start3A_35 = tpu.memref_slice %arg2[%add3A, %dma_start3A, %dma_start3A_34] : memref<32x40x128xi32, #tpu.memory_space<hbm>> -> memref<1x40x128xi32, #tpu.memory_space<hbm>>
      %dma_start3A_36 = tpu.memref_squeeze %dma_start3A_35 : memref<1x40x128xi32, #tpu.memory_space<hbm>> -> memref<40x128xi32, #tpu.memory_space<hbm>>
      %dma_start3A_37 = arith.constant 0 : i32
      %dma_start3A_38 = arith.constant 0 : i32
      %dma_start3A_39 = tpu.memref_slice %arg2[%add3A, %dma_start3A_37, %dma_start3A_38] : memref<32x40x128xi32, #tpu.memory_space<hbm>> -> memref<1x40x128xi32, #tpu.memory_space<hbm>>
      %dma_start3A_40 = tpu.memref_squeeze %dma_start3A_39 : memref<1x40x128xi32, #tpu.memory_space<hbm>> -> memref<40x128xi32, #tpu.memory_space<hbm>>
      tpu.enqueue_dma source(%dma_start3A_40 : memref<40x128xi32, #tpu.memory_space<hbm>>) target(%arg6 : memref<40x128xi32, #tpu.memory_space<vmem>>) target_semaphore(%run_scoped3A : memref<!tpu.dma_semaphore, #tpu.memory_space<semaphore_mem>>)
      %dma_wait3A = arith.constant 0 : i32
      %dma_wait3A_41 = arith.constant 0 : i32
      %dma_wait3A_42 = tpu.memref_slice %arg2[%add3A, %dma_wait3A, %dma_wait3A_41] : memref<32x40x128xi32, #tpu.memory_space<hbm>> -> memref<1x40x128xi32, #tpu.memory_space<hbm>>
      %dma_wait3A_43 = tpu.memref_squeeze %dma_wait3A_42 : memref<1x40x128xi32, #tpu.memory_space<hbm>> -> memref<40x128xi32, #tpu.memory_space<hbm>>
      %dma_wait3A_44 = arith.constant 0 : i32
      %dma_wait3A_45 = arith.constant 0 : i32
      %dma_wait3A_46 = tpu.memref_slice %arg2[%add3A, %dma_wait3A_44, %dma_wait3A_45] : memref<32x40x128xi32, #tpu.memory_space<hbm>> -> memref<1x40x128xi32, #tpu.memory_space<hbm>>
      %dma_wait3A_47 = tpu.memref_squeeze %dma_wait3A_46 : memref<1x40x128xi32, #tpu.memory_space<hbm>> -> memref<40x128xi32, #tpu.memory_space<hbm>>
      tpu.wait_dma2 semaphore(%run_scoped3A : memref<!tpu.dma_semaphore, #tpu.memory_space<semaphore_mem>>) src(%dma_wait3A_47 : memref<40x128xi32, #tpu.memory_space<hbm>>) dst(%arg6 : memref<40x128xi32, #tpu.memory_space<vmem>>)
      tpu.yield
    }) : () -> ()
    %barrier3A = arith.constant 0 : index
    tpu.barrier barrier_id(%barrier3A)
    %scan3A = arith.constant 0 : i32
    %scan3A_21 = arith.constant 0 : i32
    %scan3A_22 = arith.constant 40 : i32
    %scan3A_23 = arith.addi %scan3A_21, %scan3A_22 : i32
    %scan3A_24 = arith.constant 1 : i32
    scf.for %scan3A_34 = %scan3A_21 to %scan3A_23 step %scan3A_24  : i32 {
      "tpu.region"() ({
        %run_scoped3A = tpu.sem_alloc : memref<!tpu.dma_semaphore, #tpu.memory_space<semaphore_mem>>
        %dma_start3A = arith.constant 0 : i32
        %dma_start3A_35 = tpu.memref_slice %arg6[%scan3A_34, %dma_start3A] : memref<40x128xi32, #tpu.memory_space<vmem>> -> memref<1x128xi32, #tpu.memory_space<vmem>>
        %dma_start3A_36 = tpu.memref_squeeze %dma_start3A_35 : memref<1x128xi32, #tpu.memory_space<vmem>> -> memref<128xi32, #tpu.memory_space<vmem>>
        %dma_start3A_37 = arith.constant 0 : i32
        %dma_start3A_38 = arith.constant 0 : i32
        %dma_start3A_39 = tpu.memref_slice %arg8[%dma_start3A_37, %dma_start3A_38] : memref<10240x128xf32, #tpu.memory_space<vmem_shared>> -> memref<10240x128xf32, #tpu.memory_space<vmem_shared>>
        tpu.enqueue_indirect_dma source(%arg7 : memref<128x128xf32, #tpu.memory_space<vmem>>) target(%dma_start3A_39 : memref<10240x128xf32, #tpu.memory_space<vmem_shared>>) offsets(%dma_start3A_36 : memref<128xi32, #tpu.memory_space<vmem>>) semaphore(%run_scoped3A : memref<!tpu.dma_semaphore, #tpu.memory_space<semaphore_mem>>) {add = true}
        %dma_wait3A = arith.constant 0 : i32
        %dma_wait3A_40 = tpu.memref_slice %arg6[%scan3A_34, %dma_wait3A] : memref<40x128xi32, #tpu.memory_space<vmem>> -> memref<1x128xi32, #tpu.memory_space<vmem>>
        %dma_wait3A_41 = tpu.memref_squeeze %dma_wait3A_40 : memref<1x128xi32, #tpu.memory_space<vmem>> -> memref<128xi32, #tpu.memory_space<vmem>>
        %dma_wait3A_42 = arith.constant 0 : i32
        %dma_wait3A_43 = arith.constant 0 : i32
        %dma_wait3A_44 = tpu.memref_slice %arg8[%dma_wait3A_42, %dma_wait3A_43] : memref<10240x128xf32, #tpu.memory_space<vmem_shared>> -> memref<10240x128xf32, #tpu.memory_space<vmem_shared>>
        tpu.wait_indirect_dma semaphore(%run_scoped3A : memref<!tpu.dma_semaphore, #tpu.memory_space<semaphore_mem>>) src(%arg7 : memref<128x128xf32, #tpu.memory_space<vmem>>) dst(%dma_wait3A_44 : memref<10240x128xf32, #tpu.memory_space<vmem_shared>>)
        tpu.yield
      }) : () -> ()
    }
    %scan3A_25 = arith.constant 40 : i32
    %barrier3A_26 = arith.constant 0 : index
    tpu.barrier barrier_id(%barrier3A_26)
    %mul3A_27 = arith.constant 640 : i32
    %mul3A_28 = arith.muli %arg1, %mul3A_27 : i32
    %mul3A_29 = arith.constant 10240 : i32
    %mul3A_30 = arith.muli %arg0, %mul3A_29 : i32
    %mul3A_31 = arith.constant 640 : i32
    %mul3A_32 = arith.muli %arg1, %mul3A_31 : i32
    %add3A_33 = arith.addi %mul3A_30, %mul3A_32 : i32
    "tpu.region"() ({
      %run_scoped3A = tpu.sem_alloc : memref<!tpu.dma_semaphore, #tpu.memory_space<semaphore_mem>>
      %dma_start3A = arith.constant 0 : i32
      %dma_start3A_34 = tpu.memref_slice %arg5[%add3A_33, %dma_start3A] : memref<20480x128xf32, #tpu.memory_space<hbm>> -> memref<640x128xf32, #tpu.memory_space<hbm>>
      %dma_start3A_35 = arith.constant 0 : i32
      %dma_start3A_36 = tpu.memref_slice %arg8[%mul3A_28, %dma_start3A_35] : memref<10240x128xf32, #tpu.memory_space<vmem_shared>> -> memref<640x128xf32, #tpu.memory_space<vmem_shared>>
      tpu.enqueue_dma source(%dma_start3A_36 : memref<640x128xf32, #tpu.memory_space<vmem_shared>>) target(%dma_start3A_34 : memref<640x128xf32, #tpu.memory_space<hbm>>) target_semaphore(%run_scoped3A : memref<!tpu.dma_semaphore, #tpu.memory_space<semaphore_mem>>)
      %dma_wait3A = arith.constant 0 : i32
      %dma_wait3A_37 = tpu.memref_slice %arg5[%add3A_33, %dma_wait3A] : memref<20480x128xf32, #tpu.memory_space<hbm>> -> memref<640x128xf32, #tpu.memory_space<hbm>>
      %dma_wait3A_38 = arith.constant 0 : i32
      %dma_wait3A_39 = tpu.memref_slice %arg8[%mul3A_28, %dma_wait3A_38] : memref<10240x128xf32, #tpu.memory_space<vmem_shared>> -> memref<640x128xf32, #tpu.memory_space<vmem_shared>>
      tpu.wait_dma2 semaphore(%run_scoped3A : memref<!tpu.dma_semaphore, #tpu.memory_space<semaphore_mem>>) src(%dma_wait3A_39 : memref<640x128xf32, #tpu.memory_space<vmem_shared>>) dst(%dma_wait3A_37 : memref<640x128xf32, #tpu.memory_space<hbm>>)
      tpu.yield
    }) : () -> ()
    return
  }
}

#map = affine_map<(d0, d1) -> (0, 0)>
#map1 = affine_map<(d0, d1) -> (0, 0, 0)>
module attributes {stable_mosaic.version = 14 : i64} {
  func.func @prop(%arg0: i32, %arg1: i32, %arg2: memref<10000x128xf32, #tpu.memory_space<hbm>>, %arg3: memref<32x40x128xi32, #tpu.memory_space<hbm>>, %arg4: memref<32x40x128xi32, #tpu.memory_space<hbm>>, %arg5: memref<128x128xf32, #tpu.memory_space<hbm>>, %arg6: memref<20480x128xf32, #tpu.memory_space<hbm>>, %arg7: memref<40x128xi32, #tpu.memory_space<vmem>>, %arg8: memref<40x128xi32, #tpu.memory_space<vmem>>, %arg9: memref<10240x128xf32, #tpu.memory_space<vmem_shared>>, %arg10: memref<128x128xf32, #tpu.memory_space<vmem>>, %arg11: memref<128x128xf32, #tpu.memory_space<vmem>>, %arg12: memref<!tpu.dma_semaphore, #tpu.memory_space<semaphore_mem>>, %arg13: memref<!tpu.dma_semaphore, #tpu.memory_space<semaphore_mem>>) attributes {dimension_semantics = [#tpu.dimension_semantics<core_parallel>, #tpu.dimension_semantics<subcore_parallel>], iteration_bounds = array<i64: 2, 16>, scalar_prefetch = 0 : i64, scratch_operands = 7 : i64, tpu.core_type = #tpu.core_type<sc_vector_subcore>, window_params = [{transform_indices = #map}, {transform_indices = #map1}, {transform_indices = #map1}, {transform_indices = #map}, {transform_indices = #map}]} {
    %mul3A = arith.constant 16 : i32
    %mul3A_0 = arith.muli %arg0, %mul3A : i32
    %add3A = arith.addi %mul3A_0, %arg1 : i32
    "tpu.region"() ({
      %run_scoped3A = tpu.sem_alloc : memref<!tpu.dma_semaphore, #tpu.memory_space<semaphore_mem>>
      tpu.enqueue_dma source(%arg5 : memref<128x128xf32, #tpu.memory_space<hbm>>) target(%arg10 : memref<128x128xf32, #tpu.memory_space<vmem>>) target_semaphore(%run_scoped3A : memref<!tpu.dma_semaphore, #tpu.memory_space<semaphore_mem>>)
      tpu.wait_dma2 semaphore(%run_scoped3A : memref<!tpu.dma_semaphore, #tpu.memory_space<semaphore_mem>>) src(%arg5 : memref<128x128xf32, #tpu.memory_space<hbm>>) dst(%arg10 : memref<128x128xf32, #tpu.memory_space<vmem>>)
      tpu.yield
    }) : () -> ()
    %mul3A_1 = arith.constant 640 : i32
    %mul3A_2 = arith.muli %arg1, %mul3A_1 : i32
    %add3A_3 = arith.constant 0 : i32
    %add3A_4 = arith.addi %mul3A_2, %add3A_3 : i32
    "tpu.region"() ({
      %run_scoped3A = tpu.sem_alloc : memref<!tpu.dma_semaphore, #tpu.memory_space<semaphore_mem>>
      %dma_start3A = arith.constant 0 : i32
      %dma_start3A_34 = tpu.memref_slice %arg9[%add3A_4, %dma_start3A] : memref<10240x128xf32, #tpu.memory_space<vmem_shared>> -> memref<128x128xf32, #tpu.memory_space<vmem_shared>>
      %dma_start3A_35 = arith.constant 0 : i32
      %dma_start3A_36 = tpu.memref_slice %arg9[%add3A_4, %dma_start3A_35] : memref<10240x128xf32, #tpu.memory_space<vmem_shared>> -> memref<128x128xf32, #tpu.memory_space<vmem_shared>>
      tpu.enqueue_dma source(%arg10 : memref<128x128xf32, #tpu.memory_space<vmem>>) target(%dma_start3A_36 : memref<128x128xf32, #tpu.memory_space<vmem_shared>>) target_semaphore(%run_scoped3A : memref<!tpu.dma_semaphore, #tpu.memory_space<semaphore_mem>>)
      %dma_wait3A = arith.constant 0 : i32
      %dma_wait3A_37 = tpu.memref_slice %arg9[%add3A_4, %dma_wait3A] : memref<10240x128xf32, #tpu.memory_space<vmem_shared>> -> memref<128x128xf32, #tpu.memory_space<vmem_shared>>
      %dma_wait3A_38 = arith.constant 0 : i32
      %dma_wait3A_39 = tpu.memref_slice %arg9[%add3A_4, %dma_wait3A_38] : memref<10240x128xf32, #tpu.memory_space<vmem_shared>> -> memref<128x128xf32, #tpu.memory_space<vmem_shared>>
      tpu.wait_dma2 semaphore(%run_scoped3A : memref<!tpu.dma_semaphore, #tpu.memory_space<semaphore_mem>>) src(%arg10 : memref<128x128xf32, #tpu.memory_space<vmem>>) dst(%dma_wait3A_39 : memref<128x128xf32, #tpu.memory_space<vmem_shared>>)
      tpu.yield
    }) : () -> ()
    %mul3A_5 = arith.constant 640 : i32
    %mul3A_6 = arith.muli %arg1, %mul3A_5 : i32
    %add3A_7 = arith.constant 128 : i32
    %add3A_8 = arith.addi %mul3A_6, %add3A_7 : i32
    "tpu.region"() ({
      %run_scoped3A = tpu.sem_alloc : memref<!tpu.dma_semaphore, #tpu.memory_space<semaphore_mem>>
      %dma_start3A = arith.constant 0 : i32
      %dma_start3A_34 = tpu.memref_slice %arg9[%add3A_8, %dma_start3A] : memref<10240x128xf32, #tpu.memory_space<vmem_shared>> -> memref<128x128xf32, #tpu.memory_space<vmem_shared>>
      %dma_start3A_35 = arith.constant 0 : i32
      %dma_start3A_36 = tpu.memref_slice %arg9[%add3A_8, %dma_start3A_35] : memref<10240x128xf32, #tpu.memory_space<vmem_shared>> -> memref<128x128xf32, #tpu.memory_space<vmem_shared>>
      tpu.enqueue_dma source(%arg10 : memref<128x128xf32, #tpu.memory_space<vmem>>) target(%dma_start3A_36 : memref<128x128xf32, #tpu.memory_space<vmem_shared>>) target_semaphore(%run_scoped3A : memref<!tpu.dma_semaphore, #tpu.memory_space<semaphore_mem>>)
      %dma_wait3A = arith.constant 0 : i32
      %dma_wait3A_37 = tpu.memref_slice %arg9[%add3A_8, %dma_wait3A] : memref<10240x128xf32, #tpu.memory_space<vmem_shared>> -> memref<128x128xf32, #tpu.memory_space<vmem_shared>>
      %dma_wait3A_38 = arith.constant 0 : i32
      %dma_wait3A_39 = tpu.memref_slice %arg9[%add3A_8, %dma_wait3A_38] : memref<10240x128xf32, #tpu.memory_space<vmem_shared>> -> memref<128x128xf32, #tpu.memory_space<vmem_shared>>
      tpu.wait_dma2 semaphore(%run_scoped3A : memref<!tpu.dma_semaphore, #tpu.memory_space<semaphore_mem>>) src(%arg10 : memref<128x128xf32, #tpu.memory_space<vmem>>) dst(%dma_wait3A_39 : memref<128x128xf32, #tpu.memory_space<vmem_shared>>)
      tpu.yield
    }) : () -> ()
    %mul3A_9 = arith.constant 640 : i32
    %mul3A_10 = arith.muli %arg1, %mul3A_9 : i32
    %add3A_11 = arith.constant 256 : i32
    %add3A_12 = arith.addi %mul3A_10, %add3A_11 : i32
    "tpu.region"() ({
      %run_scoped3A = tpu.sem_alloc : memref<!tpu.dma_semaphore, #tpu.memory_space<semaphore_mem>>
      %dma_start3A = arith.constant 0 : i32
      %dma_start3A_34 = tpu.memref_slice %arg9[%add3A_12, %dma_start3A] : memref<10240x128xf32, #tpu.memory_space<vmem_shared>> -> memref<128x128xf32, #tpu.memory_space<vmem_shared>>
      %dma_start3A_35 = arith.constant 0 : i32
      %dma_start3A_36 = tpu.memref_slice %arg9[%add3A_12, %dma_start3A_35] : memref<10240x128xf32, #tpu.memory_space<vmem_shared>> -> memref<128x128xf32, #tpu.memory_space<vmem_shared>>
      tpu.enqueue_dma source(%arg10 : memref<128x128xf32, #tpu.memory_space<vmem>>) target(%dma_start3A_36 : memref<128x128xf32, #tpu.memory_space<vmem_shared>>) target_semaphore(%run_scoped3A : memref<!tpu.dma_semaphore, #tpu.memory_space<semaphore_mem>>)
      %dma_wait3A = arith.constant 0 : i32
      %dma_wait3A_37 = tpu.memref_slice %arg9[%add3A_12, %dma_wait3A] : memref<10240x128xf32, #tpu.memory_space<vmem_shared>> -> memref<128x128xf32, #tpu.memory_space<vmem_shared>>
      %dma_wait3A_38 = arith.constant 0 : i32
      %dma_wait3A_39 = tpu.memref_slice %arg9[%add3A_12, %dma_wait3A_38] : memref<10240x128xf32, #tpu.memory_space<vmem_shared>> -> memref<128x128xf32, #tpu.memory_space<vmem_shared>>
      tpu.wait_dma2 semaphore(%run_scoped3A : memref<!tpu.dma_semaphore, #tpu.memory_space<semaphore_mem>>) src(%arg10 : memref<128x128xf32, #tpu.memory_space<vmem>>) dst(%dma_wait3A_39 : memref<128x128xf32, #tpu.memory_space<vmem_shared>>)
      tpu.yield
    }) : () -> ()
    %mul3A_13 = arith.constant 640 : i32
    %mul3A_14 = arith.muli %arg1, %mul3A_13 : i32
    %add3A_15 = arith.constant 384 : i32
    %add3A_16 = arith.addi %mul3A_14, %add3A_15 : i32
    "tpu.region"() ({
      %run_scoped3A = tpu.sem_alloc : memref<!tpu.dma_semaphore, #tpu.memory_space<semaphore_mem>>
      %dma_start3A = arith.constant 0 : i32
      %dma_start3A_34 = tpu.memref_slice %arg9[%add3A_16, %dma_start3A] : memref<10240x128xf32, #tpu.memory_space<vmem_shared>> -> memref<128x128xf32, #tpu.memory_space<vmem_shared>>
      %dma_start3A_35 = arith.constant 0 : i32
      %dma_start3A_36 = tpu.memref_slice %arg9[%add3A_16, %dma_start3A_35] : memref<10240x128xf32, #tpu.memory_space<vmem_shared>> -> memref<128x128xf32, #tpu.memory_space<vmem_shared>>
      tpu.enqueue_dma source(%arg10 : memref<128x128xf32, #tpu.memory_space<vmem>>) target(%dma_start3A_36 : memref<128x128xf32, #tpu.memory_space<vmem_shared>>) target_semaphore(%run_scoped3A : memref<!tpu.dma_semaphore, #tpu.memory_space<semaphore_mem>>)
      %dma_wait3A = arith.constant 0 : i32
      %dma_wait3A_37 = tpu.memref_slice %arg9[%add3A_16, %dma_wait3A] : memref<10240x128xf32, #tpu.memory_space<vmem_shared>> -> memref<128x128xf32, #tpu.memory_space<vmem_shared>>
      %dma_wait3A_38 = arith.constant 0 : i32
      %dma_wait3A_39 = tpu.memref_slice %arg9[%add3A_16, %dma_wait3A_38] : memref<10240x128xf32, #tpu.memory_space<vmem_shared>> -> memref<128x128xf32, #tpu.memory_space<vmem_shared>>
      tpu.wait_dma2 semaphore(%run_scoped3A : memref<!tpu.dma_semaphore, #tpu.memory_space<semaphore_mem>>) src(%arg10 : memref<128x128xf32, #tpu.memory_space<vmem>>) dst(%dma_wait3A_39 : memref<128x128xf32, #tpu.memory_space<vmem_shared>>)
      tpu.yield
    }) : () -> ()
    %mul3A_17 = arith.constant 640 : i32
    %mul3A_18 = arith.muli %arg1, %mul3A_17 : i32
    %add3A_19 = arith.constant 512 : i32
    %add3A_20 = arith.addi %mul3A_18, %add3A_19 : i32
    "tpu.region"() ({
      %run_scoped3A = tpu.sem_alloc : memref<!tpu.dma_semaphore, #tpu.memory_space<semaphore_mem>>
      %dma_start3A = arith.constant 0 : i32
      %dma_start3A_34 = tpu.memref_slice %arg9[%add3A_20, %dma_start3A] : memref<10240x128xf32, #tpu.memory_space<vmem_shared>> -> memref<128x128xf32, #tpu.memory_space<vmem_shared>>
      %dma_start3A_35 = arith.constant 0 : i32
      %dma_start3A_36 = tpu.memref_slice %arg9[%add3A_20, %dma_start3A_35] : memref<10240x128xf32, #tpu.memory_space<vmem_shared>> -> memref<128x128xf32, #tpu.memory_space<vmem_shared>>
      tpu.enqueue_dma source(%arg10 : memref<128x128xf32, #tpu.memory_space<vmem>>) target(%dma_start3A_36 : memref<128x128xf32, #tpu.memory_space<vmem_shared>>) target_semaphore(%run_scoped3A : memref<!tpu.dma_semaphore, #tpu.memory_space<semaphore_mem>>)
      %dma_wait3A = arith.constant 0 : i32
      %dma_wait3A_37 = tpu.memref_slice %arg9[%add3A_20, %dma_wait3A] : memref<10240x128xf32, #tpu.memory_space<vmem_shared>> -> memref<128x128xf32, #tpu.memory_space<vmem_shared>>
      %dma_wait3A_38 = arith.constant 0 : i32
      %dma_wait3A_39 = tpu.memref_slice %arg9[%add3A_20, %dma_wait3A_38] : memref<10240x128xf32, #tpu.memory_space<vmem_shared>> -> memref<128x128xf32, #tpu.memory_space<vmem_shared>>
      tpu.wait_dma2 semaphore(%run_scoped3A : memref<!tpu.dma_semaphore, #tpu.memory_space<semaphore_mem>>) src(%arg10 : memref<128x128xf32, #tpu.memory_space<vmem>>) dst(%dma_wait3A_39 : memref<128x128xf32, #tpu.memory_space<vmem_shared>>)
      tpu.yield
    }) : () -> ()
    "tpu.region"() ({
      %run_scoped3A = tpu.sem_alloc : memref<!tpu.dma_semaphore, #tpu.memory_space<semaphore_mem>>
      %dma_start3A = arith.constant 0 : i32
      %dma_start3A_34 = arith.constant 0 : i32
      %dma_start3A_35 = tpu.memref_slice %arg3[%add3A, %dma_start3A, %dma_start3A_34] : memref<32x40x128xi32, #tpu.memory_space<hbm>> -> memref<1x40x128xi32, #tpu.memory_space<hbm>>
      %dma_start3A_36 = tpu.memref_squeeze %dma_start3A_35 : memref<1x40x128xi32, #tpu.memory_space<hbm>> -> memref<40x128xi32, #tpu.memory_space<hbm>>
      %dma_start3A_37 = arith.constant 0 : i32
      %dma_start3A_38 = arith.constant 0 : i32
      %dma_start3A_39 = tpu.memref_slice %arg3[%add3A, %dma_start3A_37, %dma_start3A_38] : memref<32x40x128xi32, #tpu.memory_space<hbm>> -> memref<1x40x128xi32, #tpu.memory_space<hbm>>
      %dma_start3A_40 = tpu.memref_squeeze %dma_start3A_39 : memref<1x40x128xi32, #tpu.memory_space<hbm>> -> memref<40x128xi32, #tpu.memory_space<hbm>>
      tpu.enqueue_dma source(%dma_start3A_40 : memref<40x128xi32, #tpu.memory_space<hbm>>) target(%arg7 : memref<40x128xi32, #tpu.memory_space<vmem>>) target_semaphore(%run_scoped3A : memref<!tpu.dma_semaphore, #tpu.memory_space<semaphore_mem>>)
      %dma_wait3A = arith.constant 0 : i32
      %dma_wait3A_41 = arith.constant 0 : i32
      %dma_wait3A_42 = tpu.memref_slice %arg3[%add3A, %dma_wait3A, %dma_wait3A_41] : memref<32x40x128xi32, #tpu.memory_space<hbm>> -> memref<1x40x128xi32, #tpu.memory_space<hbm>>
      %dma_wait3A_43 = tpu.memref_squeeze %dma_wait3A_42 : memref<1x40x128xi32, #tpu.memory_space<hbm>> -> memref<40x128xi32, #tpu.memory_space<hbm>>
      %dma_wait3A_44 = arith.constant 0 : i32
      %dma_wait3A_45 = arith.constant 0 : i32
      %dma_wait3A_46 = tpu.memref_slice %arg3[%add3A, %dma_wait3A_44, %dma_wait3A_45] : memref<32x40x128xi32, #tpu.memory_space<hbm>> -> memref<1x40x128xi32, #tpu.memory_space<hbm>>
      %dma_wait3A_47 = tpu.memref_squeeze %dma_wait3A_46 : memref<1x40x128xi32, #tpu.memory_space<hbm>> -> memref<40x128xi32, #tpu.memory_space<hbm>>
      tpu.wait_dma2 semaphore(%run_scoped3A : memref<!tpu.dma_semaphore, #tpu.memory_space<semaphore_mem>>) src(%dma_wait3A_47 : memref<40x128xi32, #tpu.memory_space<hbm>>) dst(%arg7 : memref<40x128xi32, #tpu.memory_space<vmem>>)
      tpu.yield
    }) : () -> ()
    "tpu.region"() ({
      %run_scoped3A = tpu.sem_alloc : memref<!tpu.dma_semaphore, #tpu.memory_space<semaphore_mem>>
      %dma_start3A = arith.constant 0 : i32
      %dma_start3A_34 = arith.constant 0 : i32
      %dma_start3A_35 = tpu.memref_slice %arg4[%add3A, %dma_start3A, %dma_start3A_34] : memref<32x40x128xi32, #tpu.memory_space<hbm>> -> memref<1x40x128xi32, #tpu.memory_space<hbm>>
      %dma_start3A_36 = tpu.memref_squeeze %dma_start3A_35 : memref<1x40x128xi32, #tpu.memory_space<hbm>> -> memref<40x128xi32, #tpu.memory_space<hbm>>
      %dma_start3A_37 = arith.constant 0 : i32
      %dma_start3A_38 = arith.constant 0 : i32
      %dma_start3A_39 = tpu.memref_slice %arg4[%add3A, %dma_start3A_37, %dma_start3A_38] : memref<32x40x128xi32, #tpu.memory_space<hbm>> -> memref<1x40x128xi32, #tpu.memory_space<hbm>>
      %dma_start3A_40 = tpu.memref_squeeze %dma_start3A_39 : memref<1x40x128xi32, #tpu.memory_space<hbm>> -> memref<40x128xi32, #tpu.memory_space<hbm>>
      tpu.enqueue_dma source(%dma_start3A_40 : memref<40x128xi32, #tpu.memory_space<hbm>>) target(%arg8 : memref<40x128xi32, #tpu.memory_space<vmem>>) target_semaphore(%run_scoped3A : memref<!tpu.dma_semaphore, #tpu.memory_space<semaphore_mem>>)
      %dma_wait3A = arith.constant 0 : i32
      %dma_wait3A_41 = arith.constant 0 : i32
      %dma_wait3A_42 = tpu.memref_slice %arg4[%add3A, %dma_wait3A, %dma_wait3A_41] : memref<32x40x128xi32, #tpu.memory_space<hbm>> -> memref<1x40x128xi32, #tpu.memory_space<hbm>>
      %dma_wait3A_43 = tpu.memref_squeeze %dma_wait3A_42 : memref<1x40x128xi32, #tpu.memory_space<hbm>> -> memref<40x128xi32, #tpu.memory_space<hbm>>
      %dma_wait3A_44 = arith.constant 0 : i32
      %dma_wait3A_45 = arith.constant 0 : i32
      %dma_wait3A_46 = tpu.memref_slice %arg4[%add3A, %dma_wait3A_44, %dma_wait3A_45] : memref<32x40x128xi32, #tpu.memory_space<hbm>> -> memref<1x40x128xi32, #tpu.memory_space<hbm>>
      %dma_wait3A_47 = tpu.memref_squeeze %dma_wait3A_46 : memref<1x40x128xi32, #tpu.memory_space<hbm>> -> memref<40x128xi32, #tpu.memory_space<hbm>>
      tpu.wait_dma2 semaphore(%run_scoped3A : memref<!tpu.dma_semaphore, #tpu.memory_space<semaphore_mem>>) src(%dma_wait3A_47 : memref<40x128xi32, #tpu.memory_space<hbm>>) dst(%arg8 : memref<40x128xi32, #tpu.memory_space<vmem>>)
      tpu.yield
    }) : () -> ()
    %barrier3A = arith.constant 0 : index
    tpu.barrier barrier_id(%barrier3A)
    %scan3A = arith.constant 0 : i32
    %scan3A_21 = arith.constant 0 : i32
    %scan3A_22 = arith.constant 20 : i32
    %scan3A_23 = arith.addi %scan3A_21, %scan3A_22 : i32
    %scan3A_24 = arith.constant 1 : i32
    scf.for %scan3A_34 = %scan3A_21 to %scan3A_23 step %scan3A_24  : i32 {
      %mul3A_35 = arith.constant 2 : i32
      %mul3A_36 = arith.muli %scan3A_34, %mul3A_35 : i32
      %add3A_37 = arith.constant 0 : i32
      %add3A_38 = arith.addi %mul3A_36, %add3A_37 : i32
      %dma_start3A = arith.constant 0 : i32
      %dma_start3A_39 = tpu.memref_slice %arg7[%add3A_38, %dma_start3A] : memref<40x128xi32, #tpu.memory_space<vmem>> -> memref<1x128xi32, #tpu.memory_space<vmem>>
      %dma_start3A_40 = tpu.memref_squeeze %dma_start3A_39 : memref<1x128xi32, #tpu.memory_space<vmem>> -> memref<128xi32, #tpu.memory_space<vmem>>
      %dma_start3A_41 = arith.constant 0 : i32
      %dma_start3A_42 = arith.constant 0 : i32
      %dma_start3A_43 = tpu.memref_slice %arg2[%dma_start3A_41, %dma_start3A_42] : memref<10000x128xf32, #tpu.memory_space<hbm>> -> memref<10000x128xf32, #tpu.memory_space<hbm>>
      tpu.enqueue_indirect_dma source(%dma_start3A_43 : memref<10000x128xf32, #tpu.memory_space<hbm>>) target(%arg10 : memref<128x128xf32, #tpu.memory_space<vmem>>) offsets(%dma_start3A_40 : memref<128xi32, #tpu.memory_space<vmem>>) semaphore(%arg12 : memref<!tpu.dma_semaphore, #tpu.memory_space<semaphore_mem>>)
      %dma_wait3A = arith.constant 0 : i32
      %dma_wait3A_44 = tpu.memref_slice %arg7[%add3A_38, %dma_wait3A] : memref<40x128xi32, #tpu.memory_space<vmem>> -> memref<1x128xi32, #tpu.memory_space<vmem>>
      %dma_wait3A_45 = tpu.memref_squeeze %dma_wait3A_44 : memref<1x128xi32, #tpu.memory_space<vmem>> -> memref<128xi32, #tpu.memory_space<vmem>>
      %dma_wait3A_46 = arith.constant 0 : i32
      %dma_wait3A_47 = arith.constant 0 : i32
      %dma_wait3A_48 = tpu.memref_slice %arg2[%dma_wait3A_46, %dma_wait3A_47] : memref<10000x128xf32, #tpu.memory_space<hbm>> -> memref<10000x128xf32, #tpu.memory_space<hbm>>
      tpu.wait_indirect_dma semaphore(%arg12 : memref<!tpu.dma_semaphore, #tpu.memory_space<semaphore_mem>>) src(%dma_wait3A_48 : memref<10000x128xf32, #tpu.memory_space<hbm>>) dst(%arg10 : memref<128x128xf32, #tpu.memory_space<vmem>>)
      "tpu.region"() ({
        %run_scoped3A = tpu.sem_alloc : memref<!tpu.dma_semaphore, #tpu.memory_space<semaphore_mem>>
        %dma_start3A_63 = arith.constant 0 : i32
        %dma_start3A_64 = tpu.memref_slice %arg8[%add3A_38, %dma_start3A_63] : memref<40x128xi32, #tpu.memory_space<vmem>> -> memref<1x128xi32, #tpu.memory_space<vmem>>
        %dma_start3A_65 = tpu.memref_squeeze %dma_start3A_64 : memref<1x128xi32, #tpu.memory_space<vmem>> -> memref<128xi32, #tpu.memory_space<vmem>>
        %dma_start3A_66 = arith.constant 0 : i32
        %dma_start3A_67 = arith.constant 0 : i32
        %dma_start3A_68 = tpu.memref_slice %arg9[%dma_start3A_66, %dma_start3A_67] : memref<10240x128xf32, #tpu.memory_space<vmem_shared>> -> memref<10240x128xf32, #tpu.memory_space<vmem_shared>>
        tpu.enqueue_indirect_dma source(%arg10 : memref<128x128xf32, #tpu.memory_space<vmem>>) target(%dma_start3A_68 : memref<10240x128xf32, #tpu.memory_space<vmem_shared>>) offsets(%dma_start3A_65 : memref<128xi32, #tpu.memory_space<vmem>>) semaphore(%run_scoped3A : memref<!tpu.dma_semaphore, #tpu.memory_space<semaphore_mem>>) {add = true}
        %dma_wait3A_69 = arith.constant 0 : i32
        %dma_wait3A_70 = tpu.memref_slice %arg8[%add3A_38, %dma_wait3A_69] : memref<40x128xi32, #tpu.memory_space<vmem>> -> memref<1x128xi32, #tpu.memory_space<vmem>>
        %dma_wait3A_71 = tpu.memref_squeeze %dma_wait3A_70 : memref<1x128xi32, #tpu.memory_space<vmem>> -> memref<128xi32, #tpu.memory_space<vmem>>
        %dma_wait3A_72 = arith.constant 0 : i32
        %dma_wait3A_73 = arith.constant 0 : i32
        %dma_wait3A_74 = tpu.memref_slice %arg9[%dma_wait3A_72, %dma_wait3A_73] : memref<10240x128xf32, #tpu.memory_space<vmem_shared>> -> memref<10240x128xf32, #tpu.memory_space<vmem_shared>>
        tpu.wait_indirect_dma semaphore(%run_scoped3A : memref<!tpu.dma_semaphore, #tpu.memory_space<semaphore_mem>>) src(%arg10 : memref<128x128xf32, #tpu.memory_space<vmem>>) dst(%dma_wait3A_74 : memref<10240x128xf32, #tpu.memory_space<vmem_shared>>)
        tpu.yield
      }) : () -> ()
      %add3A_49 = arith.constant 1 : i32
      %add3A_50 = arith.addi %mul3A_36, %add3A_49 : i32
      %dma_start3A_51 = arith.constant 0 : i32
      %dma_start3A_52 = tpu.memref_slice %arg7[%add3A_50, %dma_start3A_51] : memref<40x128xi32, #tpu.memory_space<vmem>> -> memref<1x128xi32, #tpu.memory_space<vmem>>
      %dma_start3A_53 = tpu.memref_squeeze %dma_start3A_52 : memref<1x128xi32, #tpu.memory_space<vmem>> -> memref<128xi32, #tpu.memory_space<vmem>>
      %dma_start3A_54 = arith.constant 0 : i32
      %dma_start3A_55 = arith.constant 0 : i32
      %dma_start3A_56 = tpu.memref_slice %arg2[%dma_start3A_54, %dma_start3A_55] : memref<10000x128xf32, #tpu.memory_space<hbm>> -> memref<10000x128xf32, #tpu.memory_space<hbm>>
      tpu.enqueue_indirect_dma source(%dma_start3A_56 : memref<10000x128xf32, #tpu.memory_space<hbm>>) target(%arg11 : memref<128x128xf32, #tpu.memory_space<vmem>>) offsets(%dma_start3A_53 : memref<128xi32, #tpu.memory_space<vmem>>) semaphore(%arg13 : memref<!tpu.dma_semaphore, #tpu.memory_space<semaphore_mem>>)
      %dma_wait3A_57 = arith.constant 0 : i32
      %dma_wait3A_58 = tpu.memref_slice %arg7[%add3A_50, %dma_wait3A_57] : memref<40x128xi32, #tpu.memory_space<vmem>> -> memref<1x128xi32, #tpu.memory_space<vmem>>
      %dma_wait3A_59 = tpu.memref_squeeze %dma_wait3A_58 : memref<1x128xi32, #tpu.memory_space<vmem>> -> memref<128xi32, #tpu.memory_space<vmem>>
      %dma_wait3A_60 = arith.constant 0 : i32
      %dma_wait3A_61 = arith.constant 0 : i32
      %dma_wait3A_62 = tpu.memref_slice %arg2[%dma_wait3A_60, %dma_wait3A_61] : memref<10000x128xf32, #tpu.memory_space<hbm>> -> memref<10000x128xf32, #tpu.memory_space<hbm>>
      tpu.wait_indirect_dma semaphore(%arg13 : memref<!tpu.dma_semaphore, #tpu.memory_space<semaphore_mem>>) src(%dma_wait3A_62 : memref<10000x128xf32, #tpu.memory_space<hbm>>) dst(%arg11 : memref<128x128xf32, #tpu.memory_space<vmem>>)
      "tpu.region"() ({
        %run_scoped3A = tpu.sem_alloc : memref<!tpu.dma_semaphore, #tpu.memory_space<semaphore_mem>>
        %dma_start3A_63 = arith.constant 0 : i32
        %dma_start3A_64 = tpu.memref_slice %arg8[%add3A_50, %dma_start3A_63] : memref<40x128xi32, #tpu.memory_space<vmem>> -> memref<1x128xi32, #tpu.memory_space<vmem>>
        %dma_start3A_65 = tpu.memref_squeeze %dma_start3A_64 : memref<1x128xi32, #tpu.memory_space<vmem>> -> memref<128xi32, #tpu.memory_space<vmem>>
        %dma_start3A_66 = arith.constant 0 : i32
        %dma_start3A_67 = arith.constant 0 : i32
        %dma_start3A_68 = tpu.memref_slice %arg9[%dma_start3A_66, %dma_start3A_67] : memref<10240x128xf32, #tpu.memory_space<vmem_shared>> -> memref<10240x128xf32, #tpu.memory_space<vmem_shared>>
        tpu.enqueue_indirect_dma source(%arg11 : memref<128x128xf32, #tpu.memory_space<vmem>>) target(%dma_start3A_68 : memref<10240x128xf32, #tpu.memory_space<vmem_shared>>) offsets(%dma_start3A_65 : memref<128xi32, #tpu.memory_space<vmem>>) semaphore(%run_scoped3A : memref<!tpu.dma_semaphore, #tpu.memory_space<semaphore_mem>>) {add = true}
        %dma_wait3A_69 = arith.constant 0 : i32
        %dma_wait3A_70 = tpu.memref_slice %arg8[%add3A_50, %dma_wait3A_69] : memref<40x128xi32, #tpu.memory_space<vmem>> -> memref<1x128xi32, #tpu.memory_space<vmem>>
        %dma_wait3A_71 = tpu.memref_squeeze %dma_wait3A_70 : memref<1x128xi32, #tpu.memory_space<vmem>> -> memref<128xi32, #tpu.memory_space<vmem>>
        %dma_wait3A_72 = arith.constant 0 : i32
        %dma_wait3A_73 = arith.constant 0 : i32
        %dma_wait3A_74 = tpu.memref_slice %arg9[%dma_wait3A_72, %dma_wait3A_73] : memref<10240x128xf32, #tpu.memory_space<vmem_shared>> -> memref<10240x128xf32, #tpu.memory_space<vmem_shared>>
        tpu.wait_indirect_dma semaphore(%run_scoped3A : memref<!tpu.dma_semaphore, #tpu.memory_space<semaphore_mem>>) src(%arg11 : memref<128x128xf32, #tpu.memory_space<vmem>>) dst(%dma_wait3A_74 : memref<10240x128xf32, #tpu.memory_space<vmem_shared>>)
        tpu.yield
      }) : () -> ()
    }
    %scan3A_25 = arith.constant 20 : i32
    %barrier3A_26 = arith.constant 0 : index
    tpu.barrier barrier_id(%barrier3A_26)
    %mul3A_27 = arith.constant 640 : i32
    %mul3A_28 = arith.muli %arg1, %mul3A_27 : i32
    %mul3A_29 = arith.constant 10240 : i32
    %mul3A_30 = arith.muli %arg0, %mul3A_29 : i32
    %mul3A_31 = arith.constant 640 : i32
    %mul3A_32 = arith.muli %arg1, %mul3A_31 : i32
    %add3A_33 = arith.addi %mul3A_30, %mul3A_32 : i32
    "tpu.region"() ({
      %run_scoped3A = tpu.sem_alloc : memref<!tpu.dma_semaphore, #tpu.memory_space<semaphore_mem>>
      %dma_start3A = arith.constant 0 : i32
      %dma_start3A_34 = tpu.memref_slice %arg6[%add3A_33, %dma_start3A] : memref<20480x128xf32, #tpu.memory_space<hbm>> -> memref<640x128xf32, #tpu.memory_space<hbm>>
      %dma_start3A_35 = arith.constant 0 : i32
      %dma_start3A_36 = tpu.memref_slice %arg9[%mul3A_28, %dma_start3A_35] : memref<10240x128xf32, #tpu.memory_space<vmem_shared>> -> memref<640x128xf32, #tpu.memory_space<vmem_shared>>
      tpu.enqueue_dma source(%dma_start3A_36 : memref<640x128xf32, #tpu.memory_space<vmem_shared>>) target(%dma_start3A_34 : memref<640x128xf32, #tpu.memory_space<hbm>>) target_semaphore(%run_scoped3A : memref<!tpu.dma_semaphore, #tpu.memory_space<semaphore_mem>>)
      %dma_wait3A = arith.constant 0 : i32
      %dma_wait3A_37 = tpu.memref_slice %arg6[%add3A_33, %dma_wait3A] : memref<20480x128xf32, #tpu.memory_space<hbm>> -> memref<640x128xf32, #tpu.memory_space<hbm>>
      %dma_wait3A_38 = arith.constant 0 : i32
      %dma_wait3A_39 = tpu.memref_slice %arg9[%mul3A_28, %dma_wait3A_38] : memref<10240x128xf32, #tpu.memory_space<vmem_shared>> -> memref<640x128xf32, #tpu.memory_space<vmem_shared>>
      tpu.wait_dma2 semaphore(%run_scoped3A : memref<!tpu.dma_semaphore, #tpu.memory_space<semaphore_mem>>) src(%dma_wait3A_39 : memref<640x128xf32, #tpu.memory_space<vmem_shared>>) dst(%dma_wait3A_37 : memref<640x128xf32, #tpu.memory_space<hbm>>)
      tpu.yield
    }) : () -> ()
    return
  }
}

module attributes {stable_mosaic.version = 14 : i64} {
  func.func @body(%arg0: i32, %arg1: memref<2x1000x128xf32, #tpu.memory_space<vmem>>, %arg2: memref<1000x128xf32, #tpu.memory_space<vmem>>, %arg3: memref<128x128xf32, #tpu.memory_space<vmem>>, %arg4: memref<2x1000x128xf32, #tpu.memory_space<vmem>>, %arg5: memref<1000x128xf32, #tpu.memory_space<vmem>>) attributes {dimension_semantics = [#tpu.dimension_semantics<arbitrary>], iteration_bounds = array<i64: 10>, scalar_prefetch = 0 : i64, scratch_operands = 0 : i64, tpu.core_type = #tpu.core_type<tc>, window_params = [{transform_indices = @transform_0, window_bounds = array<i64: 2, 1000, 128>}, {transform_indices = @transform_1, window_bounds = array<i64: 1000, 128>}, {pipeline_mode = #tpu.pipeline_mode<synchronous>, transform_indices = @transform_2, window_bounds = array<i64: 128, 128>}, {transform_indices = @transform_3, window_bounds = array<i64: 2, 1000, 128>}, {transform_indices = @transform_4, window_bounds = array<i64: 1000, 128>}]} {
    %get3A = arith.constant 0 : index
    %get3A_0 = arith.constant 0 : index
    %get3A_1 = arith.constant 0 : index
    %get3A_2 = vector.load %arg4[%get3A, %get3A_0, %get3A_1] : memref<2x1000x128xf32, #tpu.memory_space<vmem>>, vector<1x1000x1xf32>
    %get3A_3 = vector.shape_cast %get3A_2 : vector<1x1000x1xf32> to vector<1000x1xf32>
    %get3A_4 = arith.constant 1 : index
    %get3A_5 = arith.constant 0 : index
    %get3A_6 = arith.constant 0 : index
    %get3A_7 = vector.load %arg4[%get3A_4, %get3A_5, %get3A_6] : memref<2x1000x128xf32, #tpu.memory_space<vmem>>, vector<1x1000x1xf32>
    %get3A_8 = vector.shape_cast %get3A_7 : vector<1x1000x1xf32> to vector<1000x1xf32>
    %add3A = arith.addf %get3A_3, %get3A_8 : vector<1000x1xf32>
    %add3A_9 = arith.constant 1.000000e+00 : f32
    %add3A_10 = vector.broadcast %add3A_9 : f32 to vector<1000x1xf32>
    %add3A_11 = arith.addf %add3A, %add3A_10 : vector<1000x1xf32>
    %rsqrt3A = math.rsqrt %add3A_11 : vector<1000x1xf32>
    %get3A_12 = arith.constant 0 : index
    %get3A_13 = arith.constant 0 : index
    %get3A_14 = arith.constant 0 : index
    %get3A_15 = vector.load %arg1[%get3A_12, %get3A_13, %get3A_14] : memref<2x1000x128xf32, #tpu.memory_space<vmem>>, vector<1x1000x128xf32>
    %get3A_16 = vector.shape_cast %get3A_15 : vector<1x1000x128xf32> to vector<1000x128xf32>
    %get3A_17 = arith.constant 1 : index
    %get3A_18 = arith.constant 0 : index
    %get3A_19 = arith.constant 0 : index
    %get3A_20 = vector.load %arg1[%get3A_17, %get3A_18, %get3A_19] : memref<2x1000x128xf32, #tpu.memory_space<vmem>>, vector<1x1000x128xf32>
    %get3A_21 = vector.shape_cast %get3A_20 : vector<1x1000x128xf32> to vector<1000x128xf32>
    %add3A_22 = arith.addf %get3A_16, %get3A_21 : vector<1000x128xf32>
    %get3A_23 = arith.constant 0 : index
    %get3A_24 = arith.constant 0 : index
    %get3A_25 = vector.load %arg2[%get3A_23, %get3A_24] : memref<1000x128xf32, #tpu.memory_space<vmem>>, vector<1000x128xf32>
    %add3A_26 = arith.addf %add3A_22, %get3A_25 : vector<1000x128xf32>
    %mul3A = vector.broadcast %rsqrt3A : vector<1000x1xf32> to vector<1000x128xf32>
    %mul3A_27 = arith.mulf %mul3A, %add3A_26 : vector<1000x128xf32>
    %max3A = arith.constant 0.000000e+00 : f32
    %max3A_28 = vector.broadcast %max3A : f32 to vector<1000x128xf32>
    %max3A_29 = arith.maximumf %mul3A_27, %max3A_28 : vector<1000x128xf32>
    %get3A_30 = arith.constant 0 : index
    %get3A_31 = arith.constant 0 : index
    %get3A_32 = vector.load %arg3[%get3A_30, %get3A_31] : memref<128x128xf32, #tpu.memory_space<vmem>>, vector<128x128xf32>
    %dot_general3A = arith.constant dense<0.000000e+00> : vector<1000x128xf32>
    %dot_general3A_33 = tpu.matmul %max3A_29, %get3A_32, %dot_general3A {dimension_numbers = #tpu.dot_dimension_numbers<[1], [0], [0], [1], [0, 0, 1, 1], [], []>, transpose_lhs_hint = false} : vector<1000x128xf32>, vector<128x128xf32>, vector<1000x128xf32> -> vector<1000x128xf32>
    %mul3A_34 = vector.broadcast %rsqrt3A : vector<1000x1xf32> to vector<1000x128xf32>
    %mul3A_35 = arith.mulf %mul3A_34, %dot_general3A_33 : vector<1000x128xf32>
    %swap3A = arith.constant 0 : index
    %swap3A_36 = arith.constant 0 : index
    %swap3A_37 = vector.load %arg5[%swap3A, %swap3A_36] : memref<1000x128xf32, #tpu.memory_space<vmem>>, vector<1000x128xf32>
    tpu.vector_store %arg5[%swap3A, %swap3A_36], %mul3A_35 {strides = array<i32>} : memref<1000x128xf32, #tpu.memory_space<vmem>>, vector<1000x128xf32>,
    return
  }
  func.func @transform_0(%arg0: i32) -> (i32, i32, i32) {
    %c0_i32 = arith.constant 0 : i32
    %c0_i32_0 = arith.constant 0 : i32
    %c0_i32_1 = arith.constant 0 : i32
    return %c0_i32, %arg0, %c0_i32_0 : i32, i32, i32
  }
  func.func @transform_1(%arg0: i32) -> (i32, i32) {
    %c0_i32 = arith.constant 0 : i32
    %c0_i32_0 = arith.constant 0 : i32
    return %arg0, %c0_i32 : i32, i32
  }
  func.func @transform_2(%arg0: i32) -> (i32, i32) {
    %c0_i32 = arith.constant 0 : i32
    %c0_i32_0 = arith.constant 0 : i32
    %c0_i32_1 = arith.constant 0 : i32
    return %c0_i32, %c0_i32_0 : i32, i32
  }
  func.func @transform_3(%arg0: i32) -> (i32, i32, i32) {
    %c0_i32 = arith.constant 0 : i32
    %c0_i32_0 = arith.constant 0 : i32
    %c0_i32_1 = arith.constant 0 : i32
    return %c0_i32, %arg0, %c0_i32_0 : i32, i32, i32
  }
  func.func @transform_4(%arg0: i32) -> (i32, i32) {
    %c0_i32 = arith.constant 0 : i32
    %c0_i32_0 = arith.constant 0 : i32
    return %arg0, %c0_i32 : i32, i32
  }
}

module attributes {stable_mosaic.version = 14 : i64} {
  func.func @body(%arg0: i32, %arg1: memref<1000x128xf32, #tpu.memory_space<vmem>>, %arg2: memref<128x128xf32, #tpu.memory_space<vmem>>, %arg3: memref<2x1000x128xf32, #tpu.memory_space<vmem>>, %arg4: memref<1000x128xf32, #tpu.memory_space<vmem>>) attributes {dimension_semantics = [#tpu.dimension_semantics<arbitrary>], iteration_bounds = array<i64: 10>, scalar_prefetch = 0 : i64, scratch_operands = 0 : i64, tpu.core_type = #tpu.core_type<tc>, window_params = [{transform_indices = @transform_0, window_bounds = array<i64: 1000, 128>}, {pipeline_mode = #tpu.pipeline_mode<synchronous>, transform_indices = @transform_1, window_bounds = array<i64: 128, 128>}, {transform_indices = @transform_2, window_bounds = array<i64: 2, 1000, 128>}, {transform_indices = @transform_3, window_bounds = array<i64: 1000, 128>}]} {
    %get3A = arith.constant 0 : index
    %get3A_0 = arith.constant 0 : index
    %get3A_1 = vector.load %arg1[%get3A, %get3A_0] : memref<1000x128xf32, #tpu.memory_space<vmem>>, vector<1000x128xf32>
    %get3A_2 = arith.constant 0 : index
    %get3A_3 = arith.constant 0 : index
    %get3A_4 = vector.load %arg2[%get3A_2, %get3A_3] : memref<128x128xf32, #tpu.memory_space<vmem>>, vector<128x128xf32>
    %dot_general3A = arith.constant dense<0.000000e+00> : vector<1000x128xf32>
    %dot_general3A_5 = tpu.matmul %get3A_1, %get3A_4, %dot_general3A {dimension_numbers = #tpu.dot_dimension_numbers<[1], [0], [0], [1], [0, 0, 1, 1], [], []>, transpose_lhs_hint = false} : vector<1000x128xf32>, vector<128x128xf32>, vector<1000x128xf32> -> vector<1000x128xf32>
    %get3A_6 = arith.constant 0 : index
    %get3A_7 = arith.constant 0 : index
    %get3A_8 = arith.constant 0 : index
    %get3A_9 = vector.load %arg3[%get3A_6, %get3A_7, %get3A_8] : memref<2x1000x128xf32, #tpu.memory_space<vmem>>, vector<1x1000x1xf32>
    %get3A_10 = vector.shape_cast %get3A_9 : vector<1x1000x1xf32> to vector<1000x1xf32>
    %get3A_11 = arith.constant 1 : index
    %get3A_12 = arith.constant 0 : index
    %get3A_13 = arith.constant 0 : index
    %get3A_14 = vector.load %arg3[%get3A_11, %get3A_12, %get3A_13] : memref<2x1000x128xf32, #tpu.memory_space<vmem>>, vector<1x1000x1xf32>
    %get3A_15 = vector.shape_cast %get3A_14 : vector<1x1000x1xf32> to vector<1000x1xf32>
    %add3A = arith.addf %get3A_10, %get3A_15 : vector<1000x1xf32>
    %add3A_16 = arith.constant 1.000000e+00 : f32
    %add3A_17 = vector.broadcast %add3A_16 : f32 to vector<1000x1xf32>
    %add3A_18 = arith.addf %add3A, %add3A_17 : vector<1000x1xf32>
    %rsqrt3A = math.rsqrt %add3A_18 : vector<1000x1xf32>
    %mul3A = vector.broadcast %rsqrt3A : vector<1000x1xf32> to vector<1000x128xf32>
    %mul3A_19 = arith.mulf %dot_general3A_5, %mul3A : vector<1000x128xf32>
    %swap3A = arith.constant 0 : index
    %swap3A_20 = arith.constant 0 : index
    %swap3A_21 = vector.load %arg4[%swap3A, %swap3A_20] : memref<1000x128xf32, #tpu.memory_space<vmem>>, vector<1000x128xf32>
    tpu.vector_store %arg4[%swap3A, %swap3A_20], %mul3A_19 {strides = array<i32>} : memref<1000x128xf32, #tpu.memory_space<vmem>>, vector<1000x128xf32>,
    return
  }
  func.func @transform_0(%arg0: i32) -> (i32, i32) {
    %c0_i32 = arith.constant 0 : i32
    %c0_i32_0 = arith.constant 0 : i32
    return %arg0, %c0_i32 : i32, i32
  }
  func.func @transform_1(%arg0: i32) -> (i32, i32) {
    %c0_i32 = arith.constant 0 : i32
    %c0_i32_0 = arith.constant 0 : i32
    %c0_i32_1 = arith.constant 0 : i32
    return %c0_i32, %c0_i32_0 : i32, i32
  }
  func.func @transform_2(%arg0: i32) -> (i32, i32, i32) {
    %c0_i32 = arith.constant 0 : i32
    %c0_i32_0 = arith.constant 0 : i32
    %c0_i32_1 = arith.constant 0 : i32
    return %c0_i32, %arg0, %c0_i32_0 : i32, i32, i32
  }
  func.func @transform_3(%arg0: i32) -> (i32, i32) {
    %c0_i32 = arith.constant 0 : i32
    %c0_i32_0 = arith.constant 0 : i32
    return %arg0, %c0_i32 : i32, i32
  }
}

module attributes {stable_mosaic.version = 14 : i64} {
  func.func @body(%arg0: i32, %arg1: memref<2x1000x128xf32, #tpu.memory_space<vmem>>, %arg2: memref<1000x128xf32, #tpu.memory_space<vmem>>, %arg3: memref<2x1000x128xf32, #tpu.memory_space<vmem>>, %arg4: memref<1000x32xf32, #tpu.memory_space<vmem>>, %arg5: memref<1000x32xf32, #tpu.memory_space<vmem>>, %arg6: memref<1000x32xf32, #tpu.memory_space<vmem>>, %arg7: memref<1000x32xf32, #tpu.memory_space<vmem>>) attributes {dimension_semantics = [#tpu.dimension_semantics<arbitrary>], iteration_bounds = array<i64: 10>, scalar_prefetch = 0 : i64, scratch_operands = 0 : i64, tpu.core_type = #tpu.core_type<tc>, window_params = [{transform_indices = @transform_0, window_bounds = array<i64: 2, 1000, 128>}, {transform_indices = @transform_1, window_bounds = array<i64: 1000, 128>}, {transform_indices = @transform_2, window_bounds = array<i64: 2, 1000, 128>}, {transform_indices = @transform_3, window_bounds = array<i64: 1000, 32>}, {transform_indices = @transform_4, window_bounds = array<i64: 1000, 32>}, {transform_indices = @transform_5, window_bounds = array<i64: 1000, 32>}, {transform_indices = @transform_6, window_bounds = array<i64: 1000, 32>}]} {
    %get3A = arith.constant 0 : index
    %get3A_0 = arith.constant 0 : index
    %get3A_1 = arith.constant 0 : index
    %get3A_2 = vector.load %arg3[%get3A, %get3A_0, %get3A_1] : memref<2x1000x128xf32, #tpu.memory_space<vmem>>, vector<1x1000x1xf32>
    %get3A_3 = vector.shape_cast %get3A_2 : vector<1x1000x1xf32> to vector<1000x1xf32>
    %get3A_4 = arith.constant 1 : index
    %get3A_5 = arith.constant 0 : index
    %get3A_6 = arith.constant 0 : index
    %get3A_7 = vector.load %arg3[%get3A_4, %get3A_5, %get3A_6] : memref<2x1000x128xf32, #tpu.memory_space<vmem>>, vector<1x1000x1xf32>
    %get3A_8 = vector.shape_cast %get3A_7 : vector<1x1000x1xf32> to vector<1000x1xf32>
    %add3A = arith.addf %get3A_3, %get3A_8 : vector<1000x1xf32>
    %add3A_9 = arith.constant 1.000000e+00 : f32
    %add3A_10 = vector.broadcast %add3A_9 : f32 to vector<1000x1xf32>
    %add3A_11 = arith.addf %add3A, %add3A_10 : vector<1000x1xf32>
    %rsqrt3A = math.rsqrt %add3A_11 : vector<1000x1xf32>
    %get3A_12 = arith.constant 0 : index
    %get3A_13 = arith.constant 0 : index
    %get3A_14 = arith.constant 0 : index
    %get3A_15 = vector.load %arg1[%get3A_12, %get3A_13, %get3A_14] : memref<2x1000x128xf32, #tpu.memory_space<vmem>>, vector<1x1000x64xf32>
    %get3A_16 = vector.shape_cast %get3A_15 : vector<1x1000x64xf32> to vector<1000x64xf32>
    %get3A_17 = arith.constant 1 : index
    %get3A_18 = arith.constant 0 : index
    %get3A_19 = arith.constant 0 : index
    %get3A_20 = vector.load %arg1[%get3A_17, %get3A_18, %get3A_19] : memref<2x1000x128xf32, #tpu.memory_space<vmem>>, vector<1x1000x64xf32>
    %get3A_21 = vector.shape_cast %get3A_20 : vector<1x1000x64xf32> to vector<1000x64xf32>
    %add3A_22 = arith.addf %get3A_16, %get3A_21 : vector<1000x64xf32>
    %get3A_23 = arith.constant 0 : index
    %get3A_24 = arith.constant 0 : index
    %get3A_25 = vector.load %arg2[%get3A_23, %get3A_24] : memref<1000x128xf32, #tpu.memory_space<vmem>>, vector<1000x64xf32>
    %add3A_26 = arith.addf %add3A_22, %get3A_25 : vector<1000x64xf32>
    %mul3A = vector.broadcast %rsqrt3A : vector<1000x1xf32> to vector<1000x64xf32>
    %mul3A_27 = arith.mulf %mul3A, %add3A_26 : vector<1000x64xf32>
    %slice3A = vector.extract_strided_slice %mul3A_27 {offsets = [0, 0], sizes = [1000, 32], strides = [1, 1]} : vector<1000x64xf32> to vector<1000x32xf32>
    %slice3A_28 = vector.extract_strided_slice %mul3A_27 {offsets = [0, 32], sizes = [1000, 32], strides = [1, 1]} : vector<1000x64xf32> to vector<1000x32xf32>
    %swap3A = arith.constant 0 : index
    %swap3A_29 = arith.constant 0 : index
    %swap3A_30 = vector.load %arg5[%swap3A, %swap3A_29] : memref<1000x32xf32, #tpu.memory_space<vmem>>, vector<1000x32xf32>
    tpu.vector_store %arg5[%swap3A, %swap3A_29], %slice3A {strides = array<i32>} : memref<1000x32xf32, #tpu.memory_space<vmem>>, vector<1000x32xf32>,
    %swap3A_31 = arith.constant 0 : index
    %swap3A_32 = arith.constant 0 : index
    %swap3A_33 = vector.load %arg6[%swap3A_31, %swap3A_32] : memref<1000x32xf32, #tpu.memory_space<vmem>>, vector<1000x32xf32>
    tpu.vector_store %arg6[%swap3A_31, %swap3A_32], %slice3A_28 {strides = array<i32>} : memref<1000x32xf32, #tpu.memory_space<vmem>>, vector<1000x32xf32>,
    %get3A_34 = arith.constant 0 : index
    %get3A_35 = arith.constant 0 : index
    %get3A_36 = vector.load %arg4[%get3A_34, %get3A_35] : memref<1000x32xf32, #tpu.memory_space<vmem>>, vector<1000x32xf32>
    %exp3A = math.exp %slice3A_28 : vector<1000x32xf32>
    %mul3A_37 = arith.mulf %get3A_36, %exp3A : vector<1000x32xf32>
    %add3A_38 = arith.addf %slice3A, %mul3A_37 : vector<1000x32xf32>
    %swap3A_39 = arith.constant 0 : index
    %swap3A_40 = arith.constant 0 : index
    %swap3A_41 = vector.load %arg7[%swap3A_39, %swap3A_40] : memref<1000x32xf32, #tpu.memory_space<vmem>>, vector<1000x32xf32>
    tpu.vector_store %arg7[%swap3A_39, %swap3A_40], %add3A_38 {strides = array<i32>} : memref<1000x32xf32, #tpu.memory_space<vmem>>, vector<1000x32xf32>,
    return
  }
  func.func @transform_0(%arg0: i32) -> (i32, i32, i32) {
    %c0_i32 = arith.constant 0 : i32
    %c0_i32_0 = arith.constant 0 : i32
    %c0_i32_1 = arith.constant 0 : i32
    return %c0_i32, %arg0, %c0_i32_0 : i32, i32, i32
  }
  func.func @transform_1(%arg0: i32) -> (i32, i32) {
    %c0_i32 = arith.constant 0 : i32
    %c0_i32_0 = arith.constant 0 : i32
    return %arg0, %c0_i32 : i32, i32
  }
  func.func @transform_2(%arg0: i32) -> (i32, i32, i32) {
    %c0_i32 = arith.constant 0 : i32
    %c0_i32_0 = arith.constant 0 : i32
    %c0_i32_1 = arith.constant 0 : i32
    return %c0_i32, %arg0, %c0_i32_0 : i32, i32, i32
  }
  func.func @transform_3(%arg0: i32) -> (i32, i32) {
    %c0_i32 = arith.constant 0 : i32
    %c0_i32_0 = arith.constant 0 : i32
    return %arg0, %c0_i32 : i32, i32
  }
  func.func @transform_4(%arg0: i32) -> (i32, i32) {
    %c0_i32 = arith.constant 0 : i32
    %c0_i32_0 = arith.constant 0 : i32
    return %arg0, %c0_i32 : i32, i32
  }
  func.func @transform_5(%arg0: i32) -> (i32, i32) {
    %c0_i32 = arith.constant 0 : i32
    %c0_i32_0 = arith.constant 0 : i32
    return %arg0, %c0_i32 : i32, i32
  }
  func.func @transform_6(%arg0: i32) -> (i32, i32) {
    %c0_i32 = arith.constant 0 : i32
    %c0_i32_0 = arith.constant 0 : i32
    return %arg0, %c0_i32 : i32, i32
  }
}

module attributes {stable_mosaic.version = 14 : i64} {
  func.func @body(%arg0: i32, %arg1: memref<200x32xf32, #tpu.memory_space<vmem>>, %arg2: memref<10000x32xf32, #tpu.memory_space<vmem>>, %arg3: memref<200x10000xf32, #tpu.memory_space<vmem>>) attributes {dimension_semantics = [#tpu.dimension_semantics<arbitrary>], iteration_bounds = array<i64: 50>, scalar_prefetch = 0 : i64, scratch_operands = 0 : i64, tpu.core_type = #tpu.core_type<tc>, window_params = [{transform_indices = @transform_0, window_bounds = array<i64: 200, 32>}, {pipeline_mode = #tpu.pipeline_mode<synchronous>, transform_indices = @transform_1, window_bounds = array<i64: 10000, 32>}, {transform_indices = @transform_2, window_bounds = array<i64: 200, 10000>}]} {
    %get3A = arith.constant 0 : index
    %get3A_0 = arith.constant 0 : index
    %get3A_1 = vector.load %arg1[%get3A, %get3A_0] : memref<200x32xf32, #tpu.memory_space<vmem>>, vector<200x32xf32>
    %get3A_2 = arith.constant 0 : index
    %get3A_3 = arith.constant 0 : index
    %get3A_4 = vector.load %arg2[%get3A_2, %get3A_3] : memref<10000x32xf32, #tpu.memory_space<vmem>>, vector<10000x32xf32>
    %dot_general3A = arith.constant dense<0.000000e+00> : vector<200x10000xf32>
    %dot_general3A_5 = tpu.matmul %get3A_1, %get3A_4, %dot_general3A {dimension_numbers = #tpu.dot_dimension_numbers<[1], [1], [0], [0], [0, 0, 1, 0], [], []>, transpose_lhs_hint = false} : vector<200x32xf32>, vector<10000x32xf32>, vector<200x10000xf32> -> vector<200x10000xf32>
    %swap3A = arith.constant 0 : index
    %swap3A_6 = arith.constant 0 : index
    %swap3A_7 = vector.load %arg3[%swap3A, %swap3A_6] : memref<200x10000xf32, #tpu.memory_space<vmem>>, vector<200x10000xf32>
    tpu.vector_store %arg3[%swap3A, %swap3A_6], %dot_general3A_5 {strides = array<i32>} : memref<200x10000xf32, #tpu.memory_space<vmem>>, vector<200x10000xf32>,
    return
  }
  func.func @transform_0(%arg0: i32) -> (i32, i32) {
    %c0_i32 = arith.constant 0 : i32
    %c0_i32_0 = arith.constant 0 : i32
    return %arg0, %c0_i32 : i32, i32
  }
  func.func @transform_1(%arg0: i32) -> (i32, i32) {
    %c0_i32 = arith.constant 0 : i32
    %c0_i32_0 = arith.constant 0 : i32
    %c0_i32_1 = arith.constant 0 : i32
    return %c0_i32, %c0_i32_0 : i32, i32
  }
  func.func @transform_2(%arg0: i32) -> (i32, i32) {
    %c0_i32 = arith.constant 0 : i32
    %c0_i32_0 = arith.constant 0 : i32
    return %arg0, %c0_i32 : i32, i32
  }
}

</mosaic_0001>

<sc_bundles>
// kernel: kernel.12.cloned.1.call-start
scs
__scs_entry_jumppad:
0x0: {  	(pc) =	sbr.rel $0x88, $3  }
0x1: {  	(tag) =	ssettag $0x0;
	lr =	simm.s32 $0x1  }
0x2: {  	[smem:$0x3F9C] =	sst lr;
	_ =	strace $0xD0000000  }
0x3: {  	_ = 	snop  }
0x4: {  	_ = 	snop  }
0x5: {  	_ = 	snop  }
0x6: {  	_ = 	snop  }
0x7: {  	_ = 	snop  }
__scs_overlays_trampoline_lowered:
0x8: {  	[smem:$0x3FAB] =	sst s0  }
0x9: {  	[smem:$0x3FAC] =	sst s1  }
0xa: {  	[smem:$0x3FAD] =	sst s2  }
0xb: {  	[smem:$0x3FAE] =	sst s3  }
0xc: {  	[smem:$0x3FAF] =	sst s4  }
0xd: {  	[smem:$0x3FB0] =	sst s5  }
0xe: {  	[smem:$0x3FB1] =	sst s6  }
0xf: {  	[smem:$0x3FB2] =	sst s7  }
0x10: {  	[smem:$0x3FB3] =	sst s8  }
0x11: {  	[smem:$0x3FB4] =	sst s9;
	s0 =	simm.s32 @!p0 $0x0  }
0x12: {  	s1 =	sld [smem:$0x3F9A];
	s0 =	simm.s32 @p0 $0x1  }
0x13: {  	[smem:$0x3FB5] =	sst s0;
	s0 =	simm.s32 @!p1 $0x0  }
0x14: {  	s2 =	sld [smem:$0x3F99];
	s0 =	simm.s32 @p1 $0x1  }
0x15: {  	[smem:$0x3FB6] =	sst s0;
	s0 =	simm.s32 @!p2 $0x0  }
0x16: {  	s3 =	sld [smem:$0x3FDB];
	s0 =	simm.s32 @p2 $0x1  }
0x17: {  	s4 =	simm.s32 $0x1BF5;
	[smem:$0x3FB8] =	sst s0  }
0x18: {  	s0 =	sld [smem:$0x3F9B];
	_ =	swait.ge [sflag:s4], $0x0  }
0x19: {  	s7 =	sld [smem:$0x3F9C]  }
0x1a: {  	s8 =	sadd.s32 $0xFFFFE003, lr  }
0x1b: {  	s9 =	sadd.s32 $0xFFFFFEF7, lr;
	s5 =	simm.s32 $0xFFFFFFFF;
	p2 =	slt.u32 s8, $0xFFFFF086  }
0x1c: {  	p1 =	slt.u32 s9, $0xF7A;
	s5 =	simm.s32 @!p2 $0x0  }
0x1d: {  	s5 =	simm.s32 @p1 $0x1;
	p0 =	seq.s32 s7, s2  }
0x1e: {  	s7 =	smul.u32 @!p0 $0xF7A, s2;
	p2 =	seq.s32 @!p0 s5, $0x0  }
0x1f: {  	s9 =	smul.u32 $0xF7A, s1;
	s8 =	simm.s32 @!p0 $0x1BF5;
	p2 =	por !p2, p0  }
0x20: {  	[sflag:s8] =	ssyncset.s32 @!p0 $0xFFFFF086;
	s6 =	sadd.s32 @!p0 s3, s7;
	s7 =	simm.s32 @!p0 $0x108  }
0x21: {  	s3 =	sadd.s32 s3, s9;
	s6 =	sadd.s32 @!p0 $0x88, s6;
	s7 =	simm.s32 @p2 $0x1082  }
0x22: {  	[simem:s7], [sflag:s8] =	dma.local @!p0 [hbm:s6], $0xF7A  }
0x23: {  	s9 =	sor.u32 $0xD0000000, s2;
	s6 =	simm.s32 $0x108;
	_ =	swait.ge @!p0 [sflag:s8], $0x0  }
0x24: {  	s3 =	sadd.s32 $0x88, s3;
	s6 =	simm.s32 @!p1 $0x1082;
	[sflag:s4] =	ssyncset.s32 $0xFFFFF086  }
0x25: {  	[simem:s6], [sflag:s4] =	dma.local [hbm:s3], $0xF7A  }
0x26: {  	[smem:$0x3F9C] =	sst s1;
	(tag) =	ssettag s2;
	_ =	strace s9  }
0x27: {  	s1 =	sld [smem:$0x3FAC]  }
0x28: {  	s2 =	sld [smem:$0x3FAD]  }
0x29: {  	s4 =	sld [smem:$0x3FAF]  }
0x2a: {  	p0 =	seq.s32 s5, $0x0;
	s5 =	sld [smem:$0x3FB0]  }
0x2b: {  	s6 =	sld [smem:$0x3FB1]  }
0x2c: {  	s7 =	sld [smem:$0x3FB2]  }
0x2d: {  	s3 =	simm.s32 $0x108;
	s8 =	sld [smem:$0x3FB3]  }
0x2e: {  	s3 =	simm.s32 @!p0 $0x1082;
	s9 =	sld [smem:$0x3FB4]  }
0x2f: {  	lr =	sadd.s32 s0, s3;
	s0 =	sld [smem:$0x3FAB]  }
0x30: {  	s3 =	sld [smem:$0x3FAE]  }
0x31: {  	[smem:$0x3FB7] =	sst s10  }
0x32: {  	s10 =	sld [smem:$0x3FB5];
	_ =	sdelay $0x3  }
0x33: {  	p0 =	seq.s32 s10, $0x1;
	s10 =	sld [smem:$0x3FB7];
	_ =	sdelay $0x3  }
0x34: {  	[smem:$0x3FB7] =	sst s10  }
0x35: {  	s10 =	sld [smem:$0x3FB6];
	_ =	sdelay $0x3  }
0x36: {  	p1 =	seq.s32 s10, $0x1;
	s10 =	sld [smem:$0x3FB7];
	_ =	sdelay $0x3  }
0x37: {  	[smem:$0x3FB7] =	sst s10  }
0x38: {  	s10 =	sld [smem:$0x3FB8]  }
0x39: {  	_ = 	snop;
	(pc) =	sbr.ind lr, $3  }
0x3a: {  	_ = 	snop  }
0x3b: {  	_ = 	snop  }
0x3c: {  	p2 =	seq.s32 s10, $0x1;
	s10 =	sld [smem:$0x3FB7]  }
0x3d: {  	_ =	shalt  }
0x3e: {  	_ =	shalt  }
0x3f: {  	_ =	shalt  }
0x40: {  	_ =	shalt  }
0x41: {  	_ =	shalt  }
0x42: {  	_ =	shalt  }
0x43: {  	_ =	shalt  }
0x44: {  	_ =	shalt  }
0x45: {  	_ =	shalt  }
0x46: {  	_ =	shalt  }
0x47: {  	_ =	shalt  }
0x48: {  	_ =	shalt  }
0x49: {  	_ =	shalt  }
0x4a: {  	_ =	shalt  }
0x4b: {  	_ =	shalt  }
0x4c: {  	_ =	shalt  }
0x4d: {  	_ =	shalt  }
0x4e: {  	_ =	shalt  }
0x4f: {  	_ =	shalt  }
0x50: {  	_ =	shalt  }
0x51: {  	_ =	shalt  }
0x52: {  	_ =	shalt  }
0x53: {  	_ =	shalt  }
0x54: {  	_ =	shalt  }
0x55: {  	_ =	shalt  }
0x56: {  	_ =	shalt  }
0x57: {  	_ =	shalt  }
0x58: {  	_ =	shalt  }
0x59: {  	_ =	shalt  }
0x5a: {  	_ =	shalt  }
0x5b: {  	_ =	shalt  }
0x5c: {  	_ =	shalt  }
0x5d: {  	_ =	shalt  }
0x5e: {  	_ =	shalt  }
0x5f: {  	_ =	shalt  }
0x60: {  	_ =	shalt  }
0x61: {  	_ =	shalt  }
0x62: {  	_ =	shalt  }
0x63: {  	_ =	shalt  }
0x64: {  	_ =	shalt  }
0x65: {  	_ =	shalt  }
0x66: {  	_ =	shalt  }
0x67: {  	_ =	shalt  }
0x68: {  	_ =	shalt  }
0x69: {  	_ =	shalt  }
0x6a: {  	_ =	shalt  }
0x6b: {  	_ =	shalt  }
0x6c: {  	_ =	shalt  }
0x6d: {  	_ =	shalt  }
0x6e: {  	_ =	shalt  }
0x6f: {  	_ =	shalt  }
0x70: {  	_ =	shalt  }
0x71: {  	_ =	shalt  }
0x72: {  	_ =	shalt  }
0x73: {  	_ =	shalt  }
0x74: {  	_ =	shalt  }
0x75: {  	_ =	shalt  }
0x76: {  	_ =	shalt  }
0x77: {  	_ =	shalt  }
0x78: {  	_ =	shalt  }
0x79: {  	_ =	shalt  }
0x7a: {  	_ =	shalt  }
0x7b: {  	_ =	shalt  }
0x7c: {  	_ =	shalt  }
0x7d: {  	_ =	shalt  }
0x7e: {  	_ =	shalt  }
0x7f: {  	_ =	shalt  }
0x80: {  	_ =	shalt  }
0x81: {  	_ =	shalt  }
0x82: {  	_ =	shalt  }
0x83: {  	_ =	shalt  }
0x84: {  	_ =	shalt  }
0x85: {  	_ =	shalt  }
0x86: {  	_ =	shalt  }
0x87: {  	_ =	shalt  }
.Lfunc_end0:
.L_simem_size_0:
called_computation.1_lowered:
.L_overlay_start_0:
0x88: {  	s2 =	sld [smem:$0x3FD9]  }
0x89: {  	s3 =	sld [smem:$0x3FFE];
	_ =	sdelay $0x1  }
0x8a: {  	s1 =	srdreg.scid  }
0x8b: {  	s0 =	sand.u32 $0x1, s1  }
0x8c: {  	s14 =	sshll.u32 s0, $0xA;
	s2 =	sadd.s32 s3, s2  }
0x8d: {  	s2 =	sadd.s32 s2, s14  }
0x8e: {  	[smem:$0x3FC3] =	sst s2  }
0x8f: {  	_ = 	snop  }
0x90: {  	s2 =	sld [smem:$0x3FD0];
	_ =	sdelay $0x2  }
0x91: {  	s15 =	simm.s32 $0xA;
	s4 =	simm.s32 $0x10  }
0x92: {  	[smem:s4], [sflag:s15] =	dma.local [hbm:s2], $0x1  }
0x93: {  	_ =	swait.eq [sflag:s15], $0x1  }
0x94: {  	s16 =	sld [smem:$0x10];
	[sflag:s15] =	ssyncset.done $0x0  }
0x95: {  	s17 =	sld [smem:$0x11];
	[sflag:s15] =	ssyncadd.s32 $0xFFFFFFFF  }
0x96: {  	s18 =	sld [smem:$0x12];
	(tm) =	ssettm $0x1  }
0x97: {  	s5 =	sld [smem:$0x3FFB];
	_ =	sdelay $0x3  }
0x98: {  	_ =	strace s5  }
0x99: {  	s5 =	sld [smem:$0x3FFC];
	_ =	sdelay $0x3  }
0x9a: {  	_ =	strace s5  }
0x9b: {  	s5 =	sld [smem:$0x3FFD];
	_ =	sdelay $0x3  }
0x9c: {  	_ =	strace s5  }
0x9d: {  	_ =	strace $0x8FFFFFFF  }
0x9e: {  	s19 =	sld [smem:$0x3FDB];
	_ =	sdelay $0x1  }
0x9f: {  	s6 =	simm.s32 $_scs_section_size  }
0xa0: {  	s7 =	simm.s32 $_size__tile_overlayer_lowered;
	s8 =	simm.s32 $_tile_overlayer_lowered  }
0xa1: {  	s22 =	simm.s32 $0x1BFF;
	s21 =	sshll.u32 s8, $0x1;
	s5 =	sadd.s32 s6, s19  }
0xa2: {  	s9 =	simm.s32 $0x0;
	s20 =	sshll.u32 s7, $0x1;
	s7 =	sadd.s32 s21, s5  }
0xa3: {  	[timem:s9], [sflag:s22] =	dma.local [hbm:s7], s20  }
0xa4: {  	_ =	swait.ge [sflag:s22], s20  }
0xa5: {  	s6 =	ssub.s32 $0x0, s20;
	[sflag:s22] =	ssyncset.done $0x0  }
0xa6: {  	[sflag:s22] =	ssyncadd.s32 s6;
	_ =	sdelay $0x1  }
0xa7: {  	s23 =	simm.s32 $0x1B8B  }
0xa8: {  	_ =	swait.ge [sflag:s23], $0x1  }
0xa9: {  	[sflag:s23] =	ssyncset.done $0x0  }
0xaa: {  	s25 =	simm.s32 $0x1B8E;
	s24 =	sld [smem:$0x3FFE];
	[sflag:s23] =	ssyncadd.s32 $0xFFFFFFFF  }
0xab: {  	s26 =	simm.s32 $execute0_lowered;
	[smem:$0x3FD2] =	sst s25  }
0xac: {  	s7 =	sshll.u32 s26, $0x1;
	_ =	strace $0x80000049;
	[dreg:$0x1] =	wrdreg $0xFFFFFFFF  }
0xad: {  	s28 =	simm.s32 $_size_execute0_lowered;
	s5 =	sadd.s32 s5, s7;
	[dreg:$0x0] =	wrdreg $0x0  }
0xae: {  	s7 =	sshll.u32 s28, $0x1;
	[dreg:$0x2] =	wrdreg s5  }
0xaf: {  	[dreg:$0x3] =	wrdreg s7  }
0xb0: {  	[dreg:$0x4] =	wrdreg $0xC0  }
0xb1: {  	_ =	task [dreg:s9], $0x5FFFF  }
0xb2: {  	[dreg:$0x1] =	wrdreg $0xFFFFFFFF  }
0xb3: {  	[dreg:$0x0] =	wrdreg $0x60  }
0xb4: {  	[dreg:$0x2] =	wrdreg s24  }
0xb5: {  	[dreg:$0x3] =	wrdreg s17  }
0xb6: {  	[dreg:$0x4] =	wrdreg s18  }
0xb7: {  	[dreg:$0x5] =	wrdreg s16  }
0xb8: {  	[dreg:$0x6] =	wrdreg $0x28000  }
0xb9: {  	[dreg:$0x7] =	wrdreg $0x9  }
0xba: {  	_ =	task.clear_ibuf [dreg:s9], $0x8FFFF;
	_ =	strace $0x90000049  }
0xbb: {  	s29 =	simm.s32 $0x9;
	_ =	strace $0x8000004B  }
0xbc: {  	_ =	swait.ge [sflag:s29], $0x1  }
0xbd: {  	[sflag:s29] =	ssyncadd.s32 $0xFFFFFFFF  }
0xbe: {  	_ =	strace $0x9000004B  }
0xbf: {  	_ =	sfence  }
0xc0: {  	s30 =	sld [smem:$0x0];
	_ =	sdelay $0x2  }
0xc1: {  	s31 =	sshll.u32 s1, $0xD;
	s1 =	sshrl.u32 s1, $0x2  }
0xc2: {  	s3 =	sand.u32 $0x4000, s31;
	s1 =	sadd.s32 s1, s30  }
0xc3: {  	s0 =	sor.u32 s3, s0;
	s1 =	sshll.u32 s1, $0x11  }
0xc4: {  	s0 =	sor.u32 s1, s0  }
0xc5: {  	s0 =	sadd.s32 $0x8F2B, s0  }
0xc6: {  	[sflag:s0] =	ssyncadd.remote.s32 $0x1  }
0xc7: {  	_ =	sfence.sel $0xFFFF  }
0xc8: {  	[dreg:$0x0] =	wrdreg $0xFFFFFFFF;
	(pc) =	sbr.abs _section_cstart, $3  }
0xc9: {  	[dreg:$0x1] =	wrdreg $0xFFFFFFFF  }
0xca: {  	_ =	task.clear_ibuf [dreg:s9], $0x2FFFF;
	_ =	strace $0x9FFFFFFF  }
0xcb: {  	(tm) =	ssettm $0x7FFFFFFF  }
tec
execute0_lowered:
.L_overlay_start_1:
0x0: {  	(tag) =	ssettag $0x1  }
0x1: {  	s5 =	rddreg [dreg:$0x0]  }
0x2: {  	s11 =	rddreg [dreg:$0x1]  }
0x3: {  	s12 =	rddreg [dreg:$0x2]  }
0x4: {  	s13 =	rddreg [dreg:$0x3]  }
0x5: {  	s1 =	rddreg [dreg:$0x4];
	s2 =	srdreg.scid  }
0x6: {  	s0 =	rddreg [dreg:$0x5];
	s3 =	simm.s32 $0x0;
	s18 =	simm.s32 $0x80  }
0x7: {  	s19 =	simm.s32 $0x1;
	s20 =	simm.s32 $0x1A800;
	s21 =	simm.s32 $0x2  }
0x8: {  	s24 =	simm.s32 $0x0;
	s7 =	sand.u32 $0x1, s2;
	s2 =	stileid.u32  }
0x9: {  	[smem:$0x7FF] =	sst s3;
	s4 =	sadd.s32 $0x52600, s5;
	s9 =	smul.u32 $0x50000, s2  }
0xa: {  	s5 =	sadd.s32 $0x1E00, s5;
	s6 =	ssub.s32 $0x2, s7;
	s15 =	smul.u32 $0x2800, s2  }
0xb: {  	_ =	strace $0x8000004A;
	s30 =	sshll.u32 s7, $0x4;
	s16 =	smul.u32 $0x28000, s7  }
0xc: {  	s22 =	sshll.u32 s2, $0x6;
	s8 =	sshrl.u32 s6, $0x1;
	s31 =	sor.u32 s2, s30  }
0xd: {  	s22 =	sor.u32 $0x1C03, s22;
	s14 =	ssub.s32 s6, s8;
	s29 =	sshrl.u32 s9, $0x2  }
0xe: {  	s17 =	smul.u32 $0x280, s31;
	s15 =	sadd.s32 s15, s16;
	s16 =	simm.s32 $0x3  }
0xf: {  	s6 =	sadd.s32 s29, s1;
	s13 =	sadd.s32 s13, s15;
	s14 =	smax.u32 s14, $0x1  }
0x10: {  	s15 =	simm.s32 $0x16800;
	s7 =	sadd.s32 $0x4000, s6;
	s8 =	sadd.s32 $0x8000, s6  }
0x11: {  	s9 =	sadd.s32 $0xC000, s6;
	s10 =	sadd.s32 $0x10000, s6;
	s11 =	sadd.s32 s11, s17  }
0x12: {  	s12 =	sadd.s32 s12, s17;
	s17 =	simm.s32 $0x1400;
	s23 =	sshrl.u32 s6, $0x3  }
.LBB2_1:
0x13: {  	[tilespmem:s15], [sflag:$0x3] =	stream.linear.gather [hbm4b:s5+s3], $0x4000, $0x38;
	[tilespmem:$0x1E800] =	vst v63  }
0x14: {  	_ =	swait.ge [sflag:s16], $0x4000  }
0x15: {  	[sflag:s16] =	ssyncset.done $0x0  }
0x16: {  	[sflag:s16] =	ssyncadd.s32 $0xFFFFC000  }
0x17: {  	[spmem:s6] =	stream.linear.scatter [tilespmem:s15], [sflag:$0x3], $0x4000, $0x38;
	[tilespmem:$0x1E800] =	vst v63  }
0x18: {  	_ =	swait.ge [sflag:s16], $0x4000  }
0x19: {  	[sflag:s16] =	ssyncset.done $0x0  }
0x1a: {  	[sflag:s16] =	ssyncadd.s32 $0xFFFFC000  }
0x1b: {  	[spmem:s7] =	stream.linear.scatter [tilespmem:s15], [sflag:$0x3], $0x4000, $0x38;
	[tilespmem:$0x1E800] =	vst v63  }
0x1c: {  	_ =	swait.ge [sflag:s16], $0x4000  }
0x1d: {  	[sflag:s16] =	ssyncset.done $0x0  }
0x1e: {  	[sflag:s16] =	ssyncadd.s32 $0xFFFFC000  }
0x1f: {  	[spmem:s8] =	stream.linear.scatter [tilespmem:s15], [sflag:$0x3], $0x4000, $0x38;
	[tilespmem:$0x1E800] =	vst v63  }
0x20: {  	_ =	swait.ge [sflag:s16], $0x4000  }
0x21: {  	[sflag:s16] =	ssyncset.done $0x0  }
0x22: {  	[sflag:s16] =	ssyncadd.s32 $0xFFFFC000  }
0x23: {  	[spmem:s9] =	stream.linear.scatter [tilespmem:s15], [sflag:$0x3], $0x4000, $0x38;
	[tilespmem:$0x1E800] =	vst v63  }
0x24: {  	_ =	swait.ge [sflag:s16], $0x4000  }
0x25: {  	[sflag:s16] =	ssyncset.done $0x0  }
0x26: {  	[sflag:s16] =	ssyncadd.s32 $0xFFFFC000  }
0x27: {  	[spmem:s10] =	stream.linear.scatter [tilespmem:s15], [sflag:$0x3], $0x4000, $0x38;
	[tilespmem:$0x1E800] =	vst v63  }
0x28: {  	_ =	swait.ge [sflag:s16], $0x4000  }
0x29: {  	[sflag:s16] =	ssyncset.done $0x0  }
0x2a: {  	[sflag:s16] =	ssyncadd.s32 $0xFFFFC000  }
0x2b: {  	[tilespmem:s3], [sflag:$0x3] =	stream.linear.gather [hbm4b:s11+s3], $0x1400, $0x38;
	[tilespmem:$0x1E800] =	vst v63  }
0x2c: {  	_ =	swait.ge [sflag:s16], $0x1400  }
0x2d: {  	[sflag:s16] =	ssyncset.done $0x0  }
0x2e: {  	[sflag:s16] =	ssyncadd.s32 $0xFFFFEC00  }
0x2f: {  	[tilespmem:s17], [sflag:$0x3] =	stream.linear.gather [hbm4b:s12+s3], $0x1400, $0x38;
	[tilespmem:$0x1E800] =	vst v63  }
0x30: {  	_ =	swait.ge [sflag:s16], $0x1400  }
0x31: {  	[sflag:s16] =	ssyncset.done $0x0  }
0x32: {  	[sflag:s16] =	ssyncadd.s32 $0xFFFFEC00  }
0x33: {  	s25 =	simm.s32 $0x0;
	[bflag:$0x0] =	sbarrier.arrive $0xFFFF  }
0x34: {  	[tilespmem:s15], [sflag:$0x1] =	stream.indirect.gather [hbm4b:s4+s18], $0x80, s25, s18, $0xb8;
	[tilespmem:$0x1E800] =	vst v63  }
0x35: {  	_ =	swait.ge [sflag:s19], $0x4000  }
0x36: {  	[sflag:s19] =	ssyncset.done $0x0  }
0x37: {  	s29 =	simm.s32 $0x1400;
	[sflag:s19] =	ssyncadd.s32 $0xFFFFC000  }
0x38: {  	[spmem:s1] =	stream.indirect.scatter.add.f32 [tilespmem:s15], [sflag:$0x3], $0x80, s29, s18, $0xb8;
	[tilespmem:$0x1E800] =	vst v63  }
0x39: {  	_ =	swait.ge [sflag:s16], $0x4000  }
0x3a: {  	[sflag:s16] =	ssyncset.done $0x0  }
0x3b: {  	s30 =	simm.s32 $0x80;
	[sflag:s16] =	ssyncadd.s32 $0xFFFFC000  }
0x3c: {  	[tilespmem:s20], [sflag:$0x2] =	stream.indirect.gather [hbm4b:s4+s18], $0x80, s30, s18, $0xb8;
	[tilespmem:$0x1E800] =	vst v63  }
0x3d: {  	_ =	swait.ge [sflag:s21], $0x4000  }
0x3e: {  	[sflag:s21] =	ssyncset.done $0x0  }
0x3f: {  	s31 =	simm.s32 $0x1480;
	[sflag:s21] =	ssyncadd.s32 $0xFFFFC000  }
0x40: {  	[spmem:s1] =	stream.indirect.scatter.add.f32 [tilespmem:s20], [sflag:$0x3], $0x80, s31, s18, $0xb8;
	[tilespmem:$0x1E800] =	vst v63  }
0x41: {  	_ =	swait.ge [sflag:s16], $0x4000  }
0x42: {  	s26 =	simm.s32 $0x800;
	s25 =	simm.s32 $0x400;
	[sflag:s16] =	ssyncset.done $0x0  }
.LBB2_2:
0x43: {  	s28 =	sshra.s32 s25, $0x2  }
0x44: {  	[sflag:s16] =	ssyncadd.s32 $0xFFFFC000;
	s25 =	smov.u32 s26;
	s29 =	sadd.s32 $0x400, s26  }
0x45: {  	[tilespmem:s15], [sflag:$0x1] =	stream.indirect.gather [hbm4b:s4+s18], $0x80, s28, s18, $0xb8;
	[tilespmem:$0x1E800] =	vst v63  }
0x46: {  	p0 =	sne.s32 s26, $0x4C00;
	_ =	swait.ge [sflag:s19], $0x4000  }
0x47: {  	[sflag:s19] =	ssyncset.done $0x0  }
0x48: {  	s26 =	sadd.s32 $0x1400, s28;
	[sflag:s19] =	ssyncadd.s32 $0xFFFFC000  }
0x49: {  	[spmem:s1] =	stream.indirect.scatter.add.f32 [tilespmem:s15], [sflag:$0x3], $0x80, s26, s18, $0xb8;
	[tilespmem:$0x1E800] =	vst v63  }
0x4a: {  	_ =	swait.ge [sflag:s16], $0x4000  }
0x4b: {  	[sflag:s16] =	ssyncset.done $0x0  }
0x4c: {  	s26 =	sadd.s32 $0x80, s28;
	[sflag:s16] =	ssyncadd.s32 $0xFFFFC000  }
0x4d: {  	[tilespmem:s20], [sflag:$0x2] =	stream.indirect.gather [hbm4b:s4+s18], $0x80, s26, s18, $0xb8;
	[tilespmem:$0x1E800] =	vst v63  }
0x4e: {  	_ =	swait.ge [sflag:s21], $0x4000  }
.Ltmp0:
0x4f: {  	[sflag:s21] =	ssyncset.done $0x0;
	(pc) =	sbr.rel @p0 .LBB2_2-.Ltmp0, $4  }
0x50: {  	s26 =	sadd.s32 $0x1480, s28;
	[sflag:s21] =	ssyncadd.s32 $0xFFFFC000  }
0x51: {  	[spmem:s1] =	stream.indirect.scatter.add.f32 [tilespmem:s20], [sflag:$0x3], $0x80, s26, s18, $0xb8;
	[tilespmem:$0x1E800] =	vst v63  }
0x52: {  	_ =	swait.ge [sflag:s16], $0x4000  }
0x53: {  	s26 =	smov.u32 s29;
	[sflag:s16] =	ssyncset.done $0x0  }
0x54: {  	s25 =	sshra.s32 s25, $0x2;
	[sflag:s16] =	ssyncadd.s32 $0xFFFFC000  }
0x55: {  	[tilespmem:s15], [sflag:$0x1] =	stream.indirect.gather [hbm4b:s4+s18], $0x80, s25, s18, $0xb8;
	[tilespmem:$0x1E800] =	vst v63  }
0x56: {  	_ =	swait.ge [sflag:s19], $0x4000  }
0x57: {  	[sflag:s19] =	ssyncset.done $0x0  }
0x58: {  	s26 =	sadd.s32 $0x1400, s25;
	[sflag:s19] =	ssyncadd.s32 $0xFFFFC000  }
0x59: {  	[spmem:s1] =	stream.indirect.scatter.add.f32 [tilespmem:s15], [sflag:$0x3], $0x80, s26, s18, $0xb8;
	[tilespmem:$0x1E800] =	vst v63  }
0x5a: {  	_ =	swait.ge [sflag:s16], $0x4000  }
0x5b: {  	[sflag:s16] =	ssyncset.done $0x0  }
0x5c: {  	s31 =	sadd.s32 $0x80, s25;
	[sflag:s16] =	ssyncadd.s32 $0xFFFFC000  }
0x5d: {  	[tilespmem:s20], [sflag:$0x2] =	stream.indirect.gather [hbm4b:s4+s18], $0x80, s31, s18, $0xb8;
	[tilespmem:$0x1E800] =	vst v63  }
0x5e: {  	_ =	swait.ge [sflag:s21], $0x4000  }
0x5f: {  	[sflag:s21] =	ssyncset.done $0x0  }
0x60: {  	s25 =	sadd.s32 $0x1480, s25;
	[sflag:s21] =	ssyncadd.s32 $0xFFFFC000  }
0x61: {  	[spmem:s1] =	stream.indirect.scatter.add.f32 [tilespmem:s20], [sflag:$0x3], $0x80, s25, s18, $0xb8;
	[tilespmem:$0x1E800] =	vst v63  }
0x62: {  	_ =	swait.ge [sflag:s16], $0x4000  }
0x63: {  	s24 =	sadd.s32 $0x1, s24;
	[sflag:s16] =	ssyncset.done $0x0  }
0x64: {  	p0 =	sne.s32 s24, s14;
	[sflag:s16] =	ssyncadd.s32 $0xFFFFC000  }
.Ltmp1:
0x65: {  	[bflag:$0x0] =	sbarrier.arrive $0xFFFF;
	(pc) =	sbr.rel @p0 .LBB2_1-.Ltmp1, $4  }
0x66: {  	[hbm:s13], [sflag:s22] =	dma.local [spmem:s23], $0x2800  }
0x67: {  	_ =	swait.ge [sflag:s16], $0x2800  }
0x68: {  	[sflag:s16] =	ssyncset.done $0x0  }
0x69: {  	[sflag:s16] =	ssyncadd.s32 $0xFFFFD800  }
0x6a: {  	_ =	sfence.sel $0x180000  }
0x6b: {  	[bflag:$0x0] =	sbarrier.arrive $0xFFFF  }
0x6c: {  	p0 =	sne.s32 s2, $0x0;
	_ =	strace $0x9000004A  }
0x6d: {  	s0 =	sadd.s32 @!p0 $0x100000, s0;
	[bflag:$0x2] =	sbarrier.arrive $0xFFFF  }
0x6e: {  	[sflag:s0] =	ssyncadd.tile.s32 @!p0 $0x1;
	_ =	shalt  }
.Lfunc_end2:
_tile_overlayer_lowered:
.L_overlay_start_2:
0x6f: {  	(tag) =	ssettag $0x2  }
0x70: {  	s0 =	rddreg [dreg:$0x0];
	s2 =	stileid.u32  }
0x71: {  	s1 =	rddreg [dreg:$0x1];
	p0 =	sne.s32 s2, $0x0  }
0x72: {  	s3 =	rddreg [dreg:$0x2];
	[bflag:$0x3] =	sbarrier.arrive $0xFFFF;
	s2 =	simm.s32 @!p0 $0x1C03  }
0x73: {  	[timem:s3], [sflag:s2] =	dma.local @!p0 [hbm:s0], s1  }
0x74: {  	s0 =	simm.s32 @!p0 $0x3  }
0x75: {  	_ =	swait.ge @!p0 [sflag:s0], s1  }
0x76: {  	s1 =	ssub.s32 @!p0 $0x0, s1;
	[sflag:s0] =	ssyncset.done @!p0 $0x0  }
0x77: {  	[sflag:s0] =	ssyncadd.s32 @!p0 s1  }
0x78: {  	[bflag:$0x3] =	sbarrier.arrive $0xFFFF  }
0x79: {  	_ =	shalt  }

// kernel: kernel.15.cloned.1.call-start
scs
__scs_entry_jumppad:
0x0: {  	(pc) =	sbr.rel $0x88, $3  }
0x1: {  	(tag) =	ssettag $0x0;
	lr =	simm.s32 $0x1  }
0x2: {  	[smem:$0x3F9C] =	sst lr;
	_ =	strace $0xD0000000  }
0x3: {  	_ = 	snop  }
0x4: {  	_ = 	snop  }
0x5: {  	_ = 	snop  }
0x6: {  	_ = 	snop  }
0x7: {  	_ = 	snop  }
__scs_overlays_trampoline_lowered:
0x8: {  	[smem:$0x3FAB] =	sst s0  }
0x9: {  	[smem:$0x3FAC] =	sst s1  }
0xa: {  	[smem:$0x3FAD] =	sst s2  }
0xb: {  	[smem:$0x3FAE] =	sst s3  }
0xc: {  	[smem:$0x3FAF] =	sst s4  }
0xd: {  	[smem:$0x3FB0] =	sst s5  }
0xe: {  	[smem:$0x3FB1] =	sst s6  }
0xf: {  	[smem:$0x3FB2] =	sst s7  }
0x10: {  	[smem:$0x3FB3] =	sst s8  }
0x11: {  	[smem:$0x3FB4] =	sst s9;
	s0 =	simm.s32 @!p0 $0x0  }
0x12: {  	s1 =	sld [smem:$0x3F9A];
	s0 =	simm.s32 @p0 $0x1  }
0x13: {  	[smem:$0x3FB5] =	sst s0;
	s0 =	simm.s32 @!p1 $0x0  }
0x14: {  	s2 =	sld [smem:$0x3F99];
	s0 =	simm.s32 @p1 $0x1  }
0x15: {  	[smem:$0x3FB6] =	sst s0;
	s0 =	simm.s32 @!p2 $0x0  }
0x16: {  	s3 =	sld [smem:$0x3FDB];
	s0 =	simm.s32 @p2 $0x1  }
0x17: {  	s4 =	simm.s32 $0x1BF5;
	[smem:$0x3FB8] =	sst s0  }
0x18: {  	s0 =	sld [smem:$0x3F9B];
	_ =	swait.ge [sflag:s4], $0x0  }
0x19: {  	s7 =	sld [smem:$0x3F9C]  }
0x1a: {  	s8 =	sadd.s32 $0xFFFFE003, lr  }
0x1b: {  	s9 =	sadd.s32 $0xFFFFFEF7, lr;
	s5 =	simm.s32 $0xFFFFFFFF;
	p2 =	slt.u32 s8, $0xFFFFF086  }
0x1c: {  	p1 =	slt.u32 s9, $0xF7A;
	s5 =	simm.s32 @!p2 $0x0  }
0x1d: {  	s5 =	simm.s32 @p1 $0x1;
	p0 =	seq.s32 s7, s2  }
0x1e: {  	s7 =	smul.u32 @!p0 $0xF7A, s2;
	p2 =	seq.s32 @!p0 s5, $0x0  }
0x1f: {  	s9 =	smul.u32 $0xF7A, s1;
	s8 =	simm.s32 @!p0 $0x1BF5;
	p2 =	por !p2, p0  }
0x20: {  	[sflag:s8] =	ssyncset.s32 @!p0 $0xFFFFF086;
	s6 =	sadd.s32 @!p0 s3, s7;
	s7 =	simm.s32 @!p0 $0x108  }
0x21: {  	s3 =	sadd.s32 s3, s9;
	s6 =	sadd.s32 @!p0 $0x88, s6;
	s7 =	simm.s32 @p2 $0x1082  }
0x22: {  	[simem:s7], [sflag:s8] =	dma.local @!p0 [hbm:s6], $0xF7A  }
0x23: {  	s9 =	sor.u32 $0xD0000000, s2;
	s6 =	simm.s32 $0x108;
	_ =	swait.ge @!p0 [sflag:s8], $0x0  }
0x24: {  	s3 =	sadd.s32 $0x88, s3;
	s6 =	simm.s32 @!p1 $0x1082;
	[sflag:s4] =	ssyncset.s32 $0xFFFFF086  }
0x25: {  	[simem:s6], [sflag:s4] =	dma.local [hbm:s3], $0xF7A  }
0x26: {  	[smem:$0x3F9C] =	sst s1;
	(tag) =	ssettag s2;
	_ =	strace s9  }
0x27: {  	s1 =	sld [smem:$0x3FAC]  }
0x28: {  	s2 =	sld [smem:$0x3FAD]  }
0x29: {  	s4 =	sld [smem:$0x3FAF]  }
0x2a: {  	p0 =	seq.s32 s5, $0x0;
	s5 =	sld [smem:$0x3FB0]  }
0x2b: {  	s6 =	sld [smem:$0x3FB1]  }
0x2c: {  	s7 =	sld [smem:$0x3FB2]  }
0x2d: {  	s3 =	simm.s32 $0x108;
	s8 =	sld [smem:$0x3FB3]  }
0x2e: {  	s3 =	simm.s32 @!p0 $0x1082;
	s9 =	sld [smem:$0x3FB4]  }
0x2f: {  	lr =	sadd.s32 s0, s3;
	s0 =	sld [smem:$0x3FAB]  }
0x30: {  	s3 =	sld [smem:$0x3FAE]  }
0x31: {  	[smem:$0x3FB7] =	sst s10  }
0x32: {  	s10 =	sld [smem:$0x3FB5];
	_ =	sdelay $0x3  }
0x33: {  	p0 =	seq.s32 s10, $0x1;
	s10 =	sld [smem:$0x3FB7];
	_ =	sdelay $0x3  }
0x34: {  	[smem:$0x3FB7] =	sst s10  }
0x35: {  	s10 =	sld [smem:$0x3FB6];
	_ =	sdelay $0x3  }
0x36: {  	p1 =	seq.s32 s10, $0x1;
	s10 =	sld [smem:$0x3FB7];
	_ =	sdelay $0x3  }
0x37: {  	[smem:$0x3FB7] =	sst s10  }
0x38: {  	s10 =	sld [smem:$0x3FB8]  }
0x39: {  	_ = 	snop;
	(pc) =	sbr.ind lr, $3  }
0x3a: {  	_ = 	snop  }
0x3b: {  	_ = 	snop  }
0x3c: {  	p2 =	seq.s32 s10, $0x1;
	s10 =	sld [smem:$0x3FB7]  }
0x3d: {  	_ =	shalt  }
0x3e: {  	_ =	shalt  }
0x3f: {  	_ =	shalt  }
0x40: {  	_ =	shalt  }
0x41: {  	_ =	shalt  }
0x42: {  	_ =	shalt  }
0x43: {  	_ =	shalt  }
0x44: {  	_ =	shalt  }
0x45: {  	_ =	shalt  }
0x46: {  	_ =	shalt  }
0x47: {  	_ =	shalt  }
0x48: {  	_ =	shalt  }
0x49: {  	_ =	shalt  }
0x4a: {  	_ =	shalt  }
0x4b: {  	_ =	shalt  }
0x4c: {  	_ =	shalt  }
0x4d: {  	_ =	shalt  }
0x4e: {  	_ =	shalt  }
0x4f: {  	_ =	shalt  }
0x50: {  	_ =	shalt  }
0x51: {  	_ =	shalt  }
0x52: {  	_ =	shalt  }
0x53: {  	_ =	shalt  }
0x54: {  	_ =	shalt  }
0x55: {  	_ =	shalt  }
0x56: {  	_ =	shalt  }
0x57: {  	_ =	shalt  }
0x58: {  	_ =	shalt  }
0x59: {  	_ =	shalt  }
0x5a: {  	_ =	shalt  }
0x5b: {  	_ =	shalt  }
0x5c: {  	_ =	shalt  }
0x5d: {  	_ =	shalt  }
0x5e: {  	_ =	shalt  }
0x5f: {  	_ =	shalt  }
0x60: {  	_ =	shalt  }
0x61: {  	_ =	shalt  }
0x62: {  	_ =	shalt  }
0x63: {  	_ =	shalt  }
0x64: {  	_ =	shalt  }
0x65: {  	_ =	shalt  }
0x66: {  	_ =	shalt  }
0x67: {  	_ =	shalt  }
0x68: {  	_ =	shalt  }
0x69: {  	_ =	shalt  }
0x6a: {  	_ =	shalt  }
0x6b: {  	_ =	shalt  }
0x6c: {  	_ =	shalt  }
0x6d: {  	_ =	shalt  }
0x6e: {  	_ =	shalt  }
0x6f: {  	_ =	shalt  }
0x70: {  	_ =	shalt  }
0x71: {  	_ =	shalt  }
0x72: {  	_ =	shalt  }
0x73: {  	_ =	shalt  }
0x74: {  	_ =	shalt  }
0x75: {  	_ =	shalt  }
0x76: {  	_ =	shalt  }
0x77: {  	_ =	shalt  }
0x78: {  	_ =	shalt  }
0x79: {  	_ =	shalt  }
0x7a: {  	_ =	shalt  }
0x7b: {  	_ =	shalt  }
0x7c: {  	_ =	shalt  }
0x7d: {  	_ =	shalt  }
0x7e: {  	_ =	shalt  }
0x7f: {  	_ =	shalt  }
0x80: {  	_ =	shalt  }
0x81: {  	_ =	shalt  }
0x82: {  	_ =	shalt  }
0x83: {  	_ =	shalt  }
0x84: {  	_ =	shalt  }
0x85: {  	_ =	shalt  }
0x86: {  	_ =	shalt  }
0x87: {  	_ =	shalt  }
.Lfunc_end0:
.L_simem_size_0:
called_computation.2_lowered:
.L_overlay_start_0:
0x88: {  	s2 =	sld [smem:$0x3FD9]  }
0x89: {  	s3 =	sld [smem:$0x3FFE];
	_ =	sdelay $0x1  }
0x8a: {  	s1 =	srdreg.scid  }
0x8b: {  	s0 =	sand.u32 $0x1, s1  }
0x8c: {  	s14 =	sshll.u32 s0, $0xA;
	s2 =	sadd.s32 s3, s2  }
0x8d: {  	s2 =	sadd.s32 s2, s14  }
0x8e: {  	[smem:$0x3FC3] =	sst s2  }
0x8f: {  	_ = 	snop  }
0x90: {  	s2 =	sld [smem:$0x3FD0];
	_ =	sdelay $0x2  }
0x91: {  	s15 =	simm.s32 $0xA;
	s4 =	simm.s32 $0x10  }
0x92: {  	[smem:s4], [sflag:s15] =	dma.local [hbm:s2], $0x1  }
0x93: {  	_ =	swait.eq [sflag:s15], $0x1  }
0x94: {  	s16 =	sld [smem:$0x10];
	[sflag:s15] =	ssyncset.done $0x0  }
0x95: {  	s17 =	sld [smem:$0x11];
	[sflag:s15] =	ssyncadd.s32 $0xFFFFFFFF  }
0x96: {  	s18 =	sld [smem:$0x12];
	(tm) =	ssettm $0x1  }
0x97: {  	s5 =	sld [smem:$0x3FFB];
	_ =	sdelay $0x3  }
0x98: {  	_ =	strace s5  }
0x99: {  	s5 =	sld [smem:$0x3FFC];
	_ =	sdelay $0x3  }
0x9a: {  	_ =	strace s5  }
0x9b: {  	s5 =	sld [smem:$0x3FFD];
	_ =	sdelay $0x3  }
0x9c: {  	_ =	strace s5  }
0x9d: {  	_ =	strace $0x8FFFFFFF  }
0x9e: {  	s19 =	sld [smem:$0x3FDB];
	_ =	sdelay $0x1  }
0x9f: {  	s6 =	simm.s32 $_scs_section_size  }
0xa0: {  	s7 =	simm.s32 $_size__tile_overlayer_lowered;
	s8 =	simm.s32 $_tile_overlayer_lowered  }
0xa1: {  	s22 =	simm.s32 $0x1BFF;
	s21 =	sshll.u32 s8, $0x1;
	s5 =	sadd.s32 s6, s19  }
0xa2: {  	s9 =	simm.s32 $0x0;
	s20 =	sshll.u32 s7, $0x1;
	s7 =	sadd.s32 s21, s5  }
0xa3: {  	[timem:s9], [sflag:s22] =	dma.local [hbm:s7], s20  }
0xa4: {  	_ =	swait.ge [sflag:s22], s20  }
0xa5: {  	s6 =	ssub.s32 $0x0, s20;
	[sflag:s22] =	ssyncset.done $0x0  }
0xa6: {  	[sflag:s22] =	ssyncadd.s32 s6;
	_ =	sdelay $0x1  }
0xa7: {  	s23 =	simm.s32 $0x1B8B  }
0xa8: {  	_ =	swait.ge [sflag:s23], $0x1  }
0xa9: {  	[sflag:s23] =	ssyncset.done $0x0  }
0xaa: {  	s25 =	simm.s32 $0x1B8E;
	s24 =	sld [smem:$0x3FFE];
	[sflag:s23] =	ssyncadd.s32 $0xFFFFFFFF  }
0xab: {  	s26 =	simm.s32 $execute0_lowered;
	[smem:$0x3FD2] =	sst s25  }
0xac: {  	s7 =	sshll.u32 s26, $0x1;
	_ =	strace $0x8000004C;
	[dreg:$0x1] =	wrdreg $0xFFFFFFFF  }
0xad: {  	s28 =	simm.s32 $_size_execute0_lowered;
	s5 =	sadd.s32 s5, s7;
	[dreg:$0x0] =	wrdreg $0x0  }
0xae: {  	s7 =	sshll.u32 s28, $0x1;
	[dreg:$0x2] =	wrdreg s5  }
0xaf: {  	[dreg:$0x3] =	wrdreg s7  }
0xb0: {  	[dreg:$0x4] =	wrdreg $0xC0  }
0xb1: {  	_ =	task [dreg:s9], $0x5FFFF  }
0xb2: {  	[dreg:$0x1] =	wrdreg $0xFFFFFFFF  }
0xb3: {  	[dreg:$0x0] =	wrdreg $0x60  }
0xb4: {  	[dreg:$0x2] =	wrdreg s24  }
0xb5: {  	[dreg:$0x3] =	wrdreg s17  }
0xb6: {  	[dreg:$0x4] =	wrdreg s18  }
0xb7: {  	[dreg:$0x5] =	wrdreg s16  }
0xb8: {  	[dreg:$0x6] =	wrdreg $0x28000  }
0xb9: {  	[dreg:$0x7] =	wrdreg $0x9  }
0xba: {  	_ =	task.clear_ibuf [dreg:s9], $0x8FFFF;
	_ =	strace $0x9000004C  }
0xbb: {  	s29 =	simm.s32 $0x9;
	_ =	strace $0x8000004E  }
0xbc: {  	_ =	swait.ge [sflag:s29], $0x1  }
0xbd: {  	[sflag:s29] =	ssyncadd.s32 $0xFFFFFFFF  }
0xbe: {  	_ =	strace $0x9000004E  }
0xbf: {  	_ =	sfence  }
0xc0: {  	s30 =	sld [smem:$0x0];
	_ =	sdelay $0x2  }
0xc1: {  	s31 =	sshll.u32 s1, $0xD;
	s1 =	sshrl.u32 s1, $0x2  }
0xc2: {  	s3 =	sand.u32 $0x4000, s31;
	s1 =	sadd.s32 s1, s30  }
0xc3: {  	s0 =	sor.u32 s3, s0;
	s1 =	sshll.u32 s1, $0x11  }
0xc4: {  	s0 =	sor.u32 s1, s0  }
0xc5: {  	s0 =	sadd.s32 $0x8F2B, s0  }
0xc6: {  	[sflag:s0] =	ssyncadd.remote.s32 $0x1  }
0xc7: {  	_ =	sfence.sel $0xFFFF  }
0xc8: {  	[dreg:$0x0] =	wrdreg $0xFFFFFFFF;
	(pc) =	sbr.abs _section_cstart, $3  }
0xc9: {  	[dreg:$0x1] =	wrdreg $0xFFFFFFFF  }
0xca: {  	_ =	task.clear_ibuf [dreg:s9], $0x2FFFF;
	_ =	strace $0x9FFFFFFF  }
0xcb: {  	(tm) =	ssettm $0x7FFFFFFF  }
tec
execute0_lowered:
.L_overlay_start_1:
0x0: {  	(tag) =	ssettag $0x1  }
0x1: {  	s5 =	rddreg [dreg:$0x0]  }
0x2: {  	s11 =	rddreg [dreg:$0x1]  }
0x3: {  	s12 =	rddreg [dreg:$0x2]  }
0x4: {  	s13 =	rddreg [dreg:$0x3]  }
0x5: {  	s1 =	rddreg [dreg:$0x4];
	s2 =	srdreg.scid  }
0x6: {  	s0 =	rddreg [dreg:$0x5];
	s3 =	simm.s32 $0x0;
	s18 =	simm.s32 $0x80  }
0x7: {  	s19 =	simm.s32 $0x1;
	s20 =	simm.s32 $0x1A800;
	s21 =	simm.s32 $0x2  }
0x8: {  	s24 =	simm.s32 $0x0;
	s7 =	sand.u32 $0x1, s2;
	s2 =	stileid.u32  }
0x9: {  	[smem:$0x7FF] =	sst s3;
	s4 =	sadd.s32 $0x52600, s5;
	s9 =	smul.u32 $0x50000, s2  }
0xa: {  	s5 =	sadd.s32 $0x1E00, s5;
	s6 =	ssub.s32 $0x2, s7;
	s15 =	smul.u32 $0x2800, s2  }
0xb: {  	_ =	strace $0x8000004D;
	s30 =	sshll.u32 s7, $0x4;
	s16 =	smul.u32 $0x28000, s7  }
0xc: {  	s22 =	sshll.u32 s2, $0x6;
	s8 =	sshrl.u32 s6, $0x1;
	s31 =	sor.u32 s2, s30  }
0xd: {  	s22 =	sor.u32 $0x1C03, s22;
	s14 =	ssub.s32 s6, s8;
	s29 =	sshrl.u32 s9, $0x2  }
0xe: {  	s17 =	smul.u32 $0x280, s31;
	s15 =	sadd.s32 s15, s16;
	s16 =	simm.s32 $0x3  }
0xf: {  	s6 =	sadd.s32 s29, s1;
	s13 =	sadd.s32 s13, s15;
	s14 =	smax.u32 s14, $0x1  }
0x10: {  	s15 =	simm.s32 $0x16800;
	s7 =	sadd.s32 $0x4000, s6;
	s8 =	sadd.s32 $0x8000, s6  }
0x11: {  	s9 =	sadd.s32 $0xC000, s6;
	s10 =	sadd.s32 $0x10000, s6;
	s11 =	sadd.s32 s11, s17  }
0x12: {  	s12 =	sadd.s32 s12, s17;
	s17 =	simm.s32 $0x1400;
	s23 =	sshrl.u32 s6, $0x3  }
.LBB2_1:
0x13: {  	[tilespmem:s15], [sflag:$0x3] =	stream.linear.gather [hbm4b:s5+s3], $0x4000, $0x38;
	[tilespmem:$0x1E800] =	vst v63  }
0x14: {  	_ =	swait.ge [sflag:s16], $0x4000  }
0x15: {  	[sflag:s16] =	ssyncset.done $0x0  }
0x16: {  	[sflag:s16] =	ssyncadd.s32 $0xFFFFC000  }
0x17: {  	[spmem:s6] =	stream.linear.scatter [tilespmem:s15], [sflag:$0x3], $0x4000, $0x38;
	[tilespmem:$0x1E800] =	vst v63  }
0x18: {  	_ =	swait.ge [sflag:s16], $0x4000  }
0x19: {  	[sflag:s16] =	ssyncset.done $0x0  }
0x1a: {  	[sflag:s16] =	ssyncadd.s32 $0xFFFFC000  }
0x1b: {  	[spmem:s7] =	stream.linear.scatter [tilespmem:s15], [sflag:$0x3], $0x4000, $0x38;
	[tilespmem:$0x1E800] =	vst v63  }
0x1c: {  	_ =	swait.ge [sflag:s16], $0x4000  }
0x1d: {  	[sflag:s16] =	ssyncset.done $0x0  }
0x1e: {  	[sflag:s16] =	ssyncadd.s32 $0xFFFFC000  }
0x1f: {  	[spmem:s8] =	stream.linear.scatter [tilespmem:s15], [sflag:$0x3], $0x4000, $0x38;
	[tilespmem:$0x1E800] =	vst v63  }
0x20: {  	_ =	swait.ge [sflag:s16], $0x4000  }
0x21: {  	[sflag:s16] =	ssyncset.done $0x0  }
0x22: {  	[sflag:s16] =	ssyncadd.s32 $0xFFFFC000  }
0x23: {  	[spmem:s9] =	stream.linear.scatter [tilespmem:s15], [sflag:$0x3], $0x4000, $0x38;
	[tilespmem:$0x1E800] =	vst v63  }
0x24: {  	_ =	swait.ge [sflag:s16], $0x4000  }
0x25: {  	[sflag:s16] =	ssyncset.done $0x0  }
0x26: {  	[sflag:s16] =	ssyncadd.s32 $0xFFFFC000  }
0x27: {  	[spmem:s10] =	stream.linear.scatter [tilespmem:s15], [sflag:$0x3], $0x4000, $0x38;
	[tilespmem:$0x1E800] =	vst v63  }
0x28: {  	_ =	swait.ge [sflag:s16], $0x4000  }
0x29: {  	[sflag:s16] =	ssyncset.done $0x0  }
0x2a: {  	[sflag:s16] =	ssyncadd.s32 $0xFFFFC000  }
0x2b: {  	[tilespmem:s3], [sflag:$0x3] =	stream.linear.gather [hbm4b:s11+s3], $0x1400, $0x38;
	[tilespmem:$0x1E800] =	vst v63  }
0x2c: {  	_ =	swait.ge [sflag:s16], $0x1400  }
0x2d: {  	[sflag:s16] =	ssyncset.done $0x0  }
0x2e: {  	[sflag:s16] =	ssyncadd.s32 $0xFFFFEC00  }
0x2f: {  	[tilespmem:s17], [sflag:$0x3] =	stream.linear.gather [hbm4b:s12+s3], $0x1400, $0x38;
	[tilespmem:$0x1E800] =	vst v63  }
0x30: {  	_ =	swait.ge [sflag:s16], $0x1400  }
0x31: {  	[sflag:s16] =	ssyncset.done $0x0  }
0x32: {  	[sflag:s16] =	ssyncadd.s32 $0xFFFFEC00  }
0x33: {  	s25 =	simm.s32 $0x0;
	[bflag:$0x0] =	sbarrier.arrive $0xFFFF  }
0x34: {  	[tilespmem:s15], [sflag:$0x1] =	stream.indirect.gather [hbm4b:s4+s18], $0x80, s25, s18, $0xb8;
	[tilespmem:$0x1E800] =	vst v63  }
0x35: {  	_ =	swait.ge [sflag:s19], $0x4000  }
0x36: {  	[sflag:s19] =	ssyncset.done $0x0  }
0x37: {  	s29 =	simm.s32 $0x1400;
	[sflag:s19] =	ssyncadd.s32 $0xFFFFC000  }
0x38: {  	[spmem:s1] =	stream.indirect.scatter.add.f32 [tilespmem:s15], [sflag:$0x3], $0x80, s29, s18, $0xb8;
	[tilespmem:$0x1E800] =	vst v63  }
0x39: {  	_ =	swait.ge [sflag:s16], $0x4000  }
0x3a: {  	[sflag:s16] =	ssyncset.done $0x0  }
0x3b: {  	s30 =	simm.s32 $0x80;
	[sflag:s16] =	ssyncadd.s32 $0xFFFFC000  }
0x3c: {  	[tilespmem:s20], [sflag:$0x2] =	stream.indirect.gather [hbm4b:s4+s18], $0x80, s30, s18, $0xb8;
	[tilespmem:$0x1E800] =	vst v63  }
0x3d: {  	_ =	swait.ge [sflag:s21], $0x4000  }
0x3e: {  	[sflag:s21] =	ssyncset.done $0x0  }
0x3f: {  	s31 =	simm.s32 $0x1480;
	[sflag:s21] =	ssyncadd.s32 $0xFFFFC000  }
0x40: {  	[spmem:s1] =	stream.indirect.scatter.add.f32 [tilespmem:s20], [sflag:$0x3], $0x80, s31, s18, $0xb8;
	[tilespmem:$0x1E800] =	vst v63  }
0x41: {  	_ =	swait.ge [sflag:s16], $0x4000  }
0x42: {  	s26 =	simm.s32 $0x800;
	s25 =	simm.s32 $0x400;
	[sflag:s16] =	ssyncset.done $0x0  }
.LBB2_2:
0x43: {  	s28 =	sshra.s32 s25, $0x2  }
0x44: {  	[sflag:s16] =	ssyncadd.s32 $0xFFFFC000;
	s25 =	smov.u32 s26;
	s29 =	sadd.s32 $0x400, s26  }
0x45: {  	[tilespmem:s15], [sflag:$0x1] =	stream.indirect.gather [hbm4b:s4+s18], $0x80, s28, s18, $0xb8;
	[tilespmem:$0x1E800] =	vst v63  }
0x46: {  	p0 =	sne.s32 s26, $0x4C00;
	_ =	swait.ge [sflag:s19], $0x4000  }
0x47: {  	[sflag:s19] =	ssyncset.done $0x0  }
0x48: {  	s26 =	sadd.s32 $0x1400, s28;
	[sflag:s19] =	ssyncadd.s32 $0xFFFFC000  }
0x49: {  	[spmem:s1] =	stream.indirect.scatter.add.f32 [tilespmem:s15], [sflag:$0x3], $0x80, s26, s18, $0xb8;
	[tilespmem:$0x1E800] =	vst v63  }
0x4a: {  	_ =	swait.ge [sflag:s16], $0x4000  }
0x4b: {  	[sflag:s16] =	ssyncset.done $0x0  }
0x4c: {  	s26 =	sadd.s32 $0x80, s28;
	[sflag:s16] =	ssyncadd.s32 $0xFFFFC000  }
0x4d: {  	[tilespmem:s20], [sflag:$0x2] =	stream.indirect.gather [hbm4b:s4+s18], $0x80, s26, s18, $0xb8;
	[tilespmem:$0x1E800] =	vst v63  }
0x4e: {  	_ =	swait.ge [sflag:s21], $0x4000  }
.Ltmp0:
0x4f: {  	[sflag:s21] =	ssyncset.done $0x0;
	(pc) =	sbr.rel @p0 .LBB2_2-.Ltmp0, $4  }
0x50: {  	s26 =	sadd.s32 $0x1480, s28;
	[sflag:s21] =	ssyncadd.s32 $0xFFFFC000  }
0x51: {  	[spmem:s1] =	stream.indirect.scatter.add.f32 [tilespmem:s20], [sflag:$0x3], $0x80, s26, s18, $0xb8;
	[tilespmem:$0x1E800] =	vst v63  }
0x52: {  	_ =	swait.ge [sflag:s16], $0x4000  }
0x53: {  	s26 =	smov.u32 s29;
	[sflag:s16] =	ssyncset.done $0x0  }
0x54: {  	s25 =	sshra.s32 s25, $0x2;
	[sflag:s16] =	ssyncadd.s32 $0xFFFFC000  }
0x55: {  	[tilespmem:s15], [sflag:$0x1] =	stream.indirect.gather [hbm4b:s4+s18], $0x80, s25, s18, $0xb8;
	[tilespmem:$0x1E800] =	vst v63  }
0x56: {  	_ =	swait.ge [sflag:s19], $0x4000  }
0x57: {  	[sflag:s19] =	ssyncset.done $0x0  }
0x58: {  	s26 =	sadd.s32 $0x1400, s25;
	[sflag:s19] =	ssyncadd.s32 $0xFFFFC000  }
0x59: {  	[spmem:s1] =	stream.indirect.scatter.add.f32 [tilespmem:s15], [sflag:$0x3], $0x80, s26, s18, $0xb8;
	[tilespmem:$0x1E800] =	vst v63  }
0x5a: {  	_ =	swait.ge [sflag:s16], $0x4000  }
0x5b: {  	[sflag:s16] =	ssyncset.done $0x0  }
0x5c: {  	s31 =	sadd.s32 $0x80, s25;
	[sflag:s16] =	ssyncadd.s32 $0xFFFFC000  }
0x5d: {  	[tilespmem:s20], [sflag:$0x2] =	stream.indirect.gather [hbm4b:s4+s18], $0x80, s31, s18, $0xb8;
	[tilespmem:$0x1E800] =	vst v63  }
0x5e: {  	_ =	swait.ge [sflag:s21], $0x4000  }
0x5f: {  	[sflag:s21] =	ssyncset.done $0x0  }
0x60: {  	s25 =	sadd.s32 $0x1480, s25;
	[sflag:s21] =	ssyncadd.s32 $0xFFFFC000  }
0x61: {  	[spmem:s1] =	stream.indirect.scatter.add.f32 [tilespmem:s20], [sflag:$0x3], $0x80, s25, s18, $0xb8;
	[tilespmem:$0x1E800] =	vst v63  }
0x62: {  	_ =	swait.ge [sflag:s16], $0x4000  }
0x63: {  	s24 =	sadd.s32 $0x1, s24;
	[sflag:s16] =	ssyncset.done $0x0  }
0x64: {  	p0 =	sne.s32 s24, s14;
	[sflag:s16] =	ssyncadd.s32 $0xFFFFC000  }
.Ltmp1:
0x65: {  	[bflag:$0x0] =	sbarrier.arrive $0xFFFF;
	(pc) =	sbr.rel @p0 .LBB2_1-.Ltmp1, $4  }
0x66: {  	[hbm:s13], [sflag:s22] =	dma.local [spmem:s23], $0x2800  }
0x67: {  	_ =	swait.ge [sflag:s16], $0x2800  }
0x68: {  	[sflag:s16] =	ssyncset.done $0x0  }
0x69: {  	[sflag:s16] =	ssyncadd.s32 $0xFFFFD800  }
0x6a: {  	_ =	sfence.sel $0x180000  }
0x6b: {  	[bflag:$0x0] =	sbarrier.arrive $0xFFFF  }
0x6c: {  	p0 =	sne.s32 s2, $0x0;
	_ =	strace $0x9000004D  }
0x6d: {  	s0 =	sadd.s32 @!p0 $0x100000, s0;
	[bflag:$0x2] =	sbarrier.arrive $0xFFFF  }
0x6e: {  	[sflag:s0] =	ssyncadd.tile.s32 @!p0 $0x1;
	_ =	shalt  }
.Lfunc_end2:
_tile_overlayer_lowered:
.L_overlay_start_2:
0x6f: {  	(tag) =	ssettag $0x2  }
0x70: {  	s0 =	rddreg [dreg:$0x0];
	s2 =	stileid.u32  }
0x71: {  	s1 =	rddreg [dreg:$0x1];
	p0 =	sne.s32 s2, $0x0  }
0x72: {  	s3 =	rddreg [dreg:$0x2];
	[bflag:$0x3] =	sbarrier.arrive $0xFFFF;
	s2 =	simm.s32 @!p0 $0x1C03  }
0x73: {  	[timem:s3], [sflag:s2] =	dma.local @!p0 [hbm:s0], s1  }
0x74: {  	s0 =	simm.s32 @!p0 $0x3  }
0x75: {  	_ =	swait.ge @!p0 [sflag:s0], s1  }
0x76: {  	s1 =	ssub.s32 @!p0 $0x0, s1;
	[sflag:s0] =	ssyncset.done @!p0 $0x0  }
0x77: {  	[sflag:s0] =	ssyncadd.s32 @!p0 s1  }
0x78: {  	[bflag:$0x3] =	sbarrier.arrive $0xFFFF  }
0x79: {  	_ =	shalt  }

// kernel: kernel.9.cloned.1.call-start
scs
__scs_entry_jumppad:
0x0: {  	(pc) =	sbr.rel $0x88, $3  }
0x1: {  	(tag) =	ssettag $0x0;
	lr =	simm.s32 $0x1  }
0x2: {  	[smem:$0x3F9C] =	sst lr;
	_ =	strace $0xD0000000  }
0x3: {  	_ = 	snop  }
0x4: {  	_ = 	snop  }
0x5: {  	_ = 	snop  }
0x6: {  	_ = 	snop  }
0x7: {  	_ = 	snop  }
__scs_overlays_trampoline_lowered:
0x8: {  	[smem:$0x3FAB] =	sst s0  }
0x9: {  	[smem:$0x3FAC] =	sst s1  }
0xa: {  	[smem:$0x3FAD] =	sst s2  }
0xb: {  	[smem:$0x3FAE] =	sst s3  }
0xc: {  	[smem:$0x3FAF] =	sst s4  }
0xd: {  	[smem:$0x3FB0] =	sst s5  }
0xe: {  	[smem:$0x3FB1] =	sst s6  }
0xf: {  	[smem:$0x3FB2] =	sst s7  }
0x10: {  	[smem:$0x3FB3] =	sst s8  }
0x11: {  	[smem:$0x3FB4] =	sst s9;
	s0 =	simm.s32 @!p0 $0x0  }
0x12: {  	s1 =	sld [smem:$0x3F9A];
	s0 =	simm.s32 @p0 $0x1  }
0x13: {  	[smem:$0x3FB5] =	sst s0;
	s0 =	simm.s32 @!p1 $0x0  }
0x14: {  	s2 =	sld [smem:$0x3F99];
	s0 =	simm.s32 @p1 $0x1  }
0x15: {  	[smem:$0x3FB6] =	sst s0;
	s0 =	simm.s32 @!p2 $0x0  }
0x16: {  	s3 =	sld [smem:$0x3FDB];
	s0 =	simm.s32 @p2 $0x1  }
0x17: {  	s4 =	simm.s32 $0x1BF5;
	[smem:$0x3FB8] =	sst s0  }
0x18: {  	s0 =	sld [smem:$0x3F9B];
	_ =	swait.ge [sflag:s4], $0x0  }
0x19: {  	s7 =	sld [smem:$0x3F9C]  }
0x1a: {  	s8 =	sadd.s32 $0xFFFFE003, lr  }
0x1b: {  	s9 =	sadd.s32 $0xFFFFFEF7, lr;
	s5 =	simm.s32 $0xFFFFFFFF;
	p2 =	slt.u32 s8, $0xFFFFF086  }
0x1c: {  	p1 =	slt.u32 s9, $0xF7A;
	s5 =	simm.s32 @!p2 $0x0  }
0x1d: {  	s5 =	simm.s32 @p1 $0x1;
	p0 =	seq.s32 s7, s2  }
0x1e: {  	s7 =	smul.u32 @!p0 $0xF7A, s2;
	p2 =	seq.s32 @!p0 s5, $0x0  }
0x1f: {  	s9 =	smul.u32 $0xF7A, s1;
	s8 =	simm.s32 @!p0 $0x1BF5;
	p2 =	por !p2, p0  }
0x20: {  	[sflag:s8] =	ssyncset.s32 @!p0 $0xFFFFF086;
	s6 =	sadd.s32 @!p0 s3, s7;
	s7 =	simm.s32 @!p0 $0x108  }
0x21: {  	s3 =	sadd.s32 s3, s9;
	s6 =	sadd.s32 @!p0 $0x88, s6;
	s7 =	simm.s32 @p2 $0x1082  }
0x22: {  	[simem:s7], [sflag:s8] =	dma.local @!p0 [hbm:s6], $0xF7A  }
0x23: {  	s9 =	sor.u32 $0xD0000000, s2;
	s6 =	simm.s32 $0x108;
	_ =	swait.ge @!p0 [sflag:s8], $0x0  }
0x24: {  	s3 =	sadd.s32 $0x88, s3;
	s6 =	simm.s32 @!p1 $0x1082;
	[sflag:s4] =	ssyncset.s32 $0xFFFFF086  }
0x25: {  	[simem:s6], [sflag:s4] =	dma.local [hbm:s3], $0xF7A  }
0x26: {  	[smem:$0x3F9C] =	sst s1;
	(tag) =	ssettag s2;
	_ =	strace s9  }
0x27: {  	s1 =	sld [smem:$0x3FAC]  }
0x28: {  	s2 =	sld [smem:$0x3FAD]  }
0x29: {  	s4 =	sld [smem:$0x3FAF]  }
0x2a: {  	p0 =	seq.s32 s5, $0x0;
	s5 =	sld [smem:$0x3FB0]  }
0x2b: {  	s6 =	sld [smem:$0x3FB1]  }
0x2c: {  	s7 =	sld [smem:$0x3FB2]  }
0x2d: {  	s3 =	simm.s32 $0x108;
	s8 =	sld [smem:$0x3FB3]  }
0x2e: {  	s3 =	simm.s32 @!p0 $0x1082;
	s9 =	sld [smem:$0x3FB4]  }
0x2f: {  	lr =	sadd.s32 s0, s3;
	s0 =	sld [smem:$0x3FAB]  }
0x30: {  	s3 =	sld [smem:$0x3FAE]  }
0x31: {  	[smem:$0x3FB7] =	sst s10  }
0x32: {  	s10 =	sld [smem:$0x3FB5];
	_ =	sdelay $0x3  }
0x33: {  	p0 =	seq.s32 s10, $0x1;
	s10 =	sld [smem:$0x3FB7];
	_ =	sdelay $0x3  }
0x34: {  	[smem:$0x3FB7] =	sst s10  }
0x35: {  	s10 =	sld [smem:$0x3FB6];
	_ =	sdelay $0x3  }
0x36: {  	p1 =	seq.s32 s10, $0x1;
	s10 =	sld [smem:$0x3FB7];
	_ =	sdelay $0x3  }
0x37: {  	[smem:$0x3FB7] =	sst s10  }
0x38: {  	s10 =	sld [smem:$0x3FB8]  }
0x39: {  	_ = 	snop;
	(pc) =	sbr.ind lr, $3  }
0x3a: {  	_ = 	snop  }
0x3b: {  	_ = 	snop  }
0x3c: {  	p2 =	seq.s32 s10, $0x1;
	s10 =	sld [smem:$0x3FB7]  }
0x3d: {  	_ =	shalt  }
0x3e: {  	_ =	shalt  }
0x3f: {  	_ =	shalt  }
0x40: {  	_ =	shalt  }
0x41: {  	_ =	shalt  }
0x42: {  	_ =	shalt  }
0x43: {  	_ =	shalt  }
0x44: {  	_ =	shalt  }
0x45: {  	_ =	shalt  }
0x46: {  	_ =	shalt  }
0x47: {  	_ =	shalt  }
0x48: {  	_ =	shalt  }
0x49: {  	_ =	shalt  }
0x4a: {  	_ =	shalt  }
0x4b: {  	_ =	shalt  }
0x4c: {  	_ =	shalt  }
0x4d: {  	_ =	shalt  }
0x4e: {  	_ =	shalt  }
0x4f: {  	_ =	shalt  }
0x50: {  	_ =	shalt  }
0x51: {  	_ =	shalt  }
0x52: {  	_ =	shalt  }
0x53: {  	_ =	shalt  }
0x54: {  	_ =	shalt  }
0x55: {  	_ =	shalt  }
0x56: {  	_ =	shalt  }
0x57: {  	_ =	shalt  }
0x58: {  	_ =	shalt  }
0x59: {  	_ =	shalt  }
0x5a: {  	_ =	shalt  }
0x5b: {  	_ =	shalt  }
0x5c: {  	_ =	shalt  }
0x5d: {  	_ =	shalt  }
0x5e: {  	_ =	shalt  }
0x5f: {  	_ =	shalt  }
0x60: {  	_ =	shalt  }
0x61: {  	_ =	shalt  }
0x62: {  	_ =	shalt  }
0x63: {  	_ =	shalt  }
0x64: {  	_ =	shalt  }
0x65: {  	_ =	shalt  }
0x66: {  	_ =	shalt  }
0x67: {  	_ =	shalt  }
0x68: {  	_ =	shalt  }
0x69: {  	_ =	shalt  }
0x6a: {  	_ =	shalt  }
0x6b: {  	_ =	shalt  }
0x6c: {  	_ =	shalt  }
0x6d: {  	_ =	shalt  }
0x6e: {  	_ =	shalt  }
0x6f: {  	_ =	shalt  }
0x70: {  	_ =	shalt  }
0x71: {  	_ =	shalt  }
0x72: {  	_ =	shalt  }
0x73: {  	_ =	shalt  }
0x74: {  	_ =	shalt  }
0x75: {  	_ =	shalt  }
0x76: {  	_ =	shalt  }
0x77: {  	_ =	shalt  }
0x78: {  	_ =	shalt  }
0x79: {  	_ =	shalt  }
0x7a: {  	_ =	shalt  }
0x7b: {  	_ =	shalt  }
0x7c: {  	_ =	shalt  }
0x7d: {  	_ =	shalt  }
0x7e: {  	_ =	shalt  }
0x7f: {  	_ =	shalt  }
0x80: {  	_ =	shalt  }
0x81: {  	_ =	shalt  }
0x82: {  	_ =	shalt  }
0x83: {  	_ =	shalt  }
0x84: {  	_ =	shalt  }
0x85: {  	_ =	shalt  }
0x86: {  	_ =	shalt  }
0x87: {  	_ =	shalt  }
.Lfunc_end0:
.L_simem_size_0:
called_computation_lowered:
.L_overlay_start_0:
0x88: {  	s2 =	sld [smem:$0x3FD9]  }
0x89: {  	s3 =	sld [smem:$0x3FFE];
	_ =	sdelay $0x1  }
0x8a: {  	s1 =	srdreg.scid  }
0x8b: {  	s0 =	sand.u32 $0x1, s1  }
0x8c: {  	s14 =	sshll.u32 s0, $0xA;
	s2 =	sadd.s32 s3, s2  }
0x8d: {  	s2 =	sadd.s32 s2, s14  }
0x8e: {  	[smem:$0x3FC3] =	sst s2  }
0x8f: {  	_ = 	snop  }
0x90: {  	s2 =	sld [smem:$0x3FD0];
	_ =	sdelay $0x2  }
0x91: {  	s15 =	simm.s32 $0xA;
	s4 =	simm.s32 $0x10  }
0x92: {  	[smem:s4], [sflag:s15] =	dma.local [hbm:s2], $0x1  }
0x93: {  	_ =	swait.eq [sflag:s15], $0x1  }
0x94: {  	[sflag:s15] =	ssyncset.done $0x0  }
0x95: {  	s16 =	sld [smem:$0x10];
	[sflag:s15] =	ssyncadd.s32 $0xFFFFFFFF  }
0x96: {  	s17 =	sld [smem:$0x12];
	(tm) =	ssettm $0x1  }
0x97: {  	s18 =	sld [smem:$0x3FFB];
	_ =	sdelay $0x3  }
0x98: {  	_ =	strace s18  }
0x99: {  	s4 =	sld [smem:$0x3FFC];
	_ =	sdelay $0x3  }
0x9a: {  	_ =	strace s4  }
0x9b: {  	s4 =	sld [smem:$0x3FFD];
	_ =	sdelay $0x3  }
0x9c: {  	_ =	strace s4  }
0x9d: {  	_ =	strace $0x8FFFFFFF  }
0x9e: {  	s19 =	sld [smem:$0x3FDB];
	_ =	sdelay $0x1  }
0x9f: {  	s5 =	simm.s32 $_scs_section_size  }
0xa0: {  	s6 =	simm.s32 $_size__tile_overlayer_lowered;
	s7 =	simm.s32 $_tile_overlayer_lowered  }
0xa1: {  	s22 =	simm.s32 $0x1BFF;
	s21 =	sshll.u32 s7, $0x1;
	s4 =	sadd.s32 s5, s19  }
0xa2: {  	s8 =	simm.s32 $0x0;
	s20 =	sshll.u32 s6, $0x1;
	s6 =	sadd.s32 s21, s4  }
0xa3: {  	[timem:s8], [sflag:s22] =	dma.local [hbm:s6], s20  }
0xa4: {  	_ =	swait.ge [sflag:s22], s20  }
0xa5: {  	s5 =	ssub.s32 $0x0, s20;
	[sflag:s22] =	ssyncset.done $0x0  }
0xa6: {  	[sflag:s22] =	ssyncadd.s32 s5;
	_ =	sdelay $0x1  }
0xa7: {  	s23 =	simm.s32 $0x1B8B  }
0xa8: {  	_ =	swait.ge [sflag:s23], $0x1  }
0xa9: {  	[sflag:s23] =	ssyncset.done $0x0  }
0xaa: {  	s25 =	simm.s32 $0x1B8E;
	s24 =	sld [smem:$0x3FFE];
	[sflag:s23] =	ssyncadd.s32 $0xFFFFFFFF  }
0xab: {  	s26 =	simm.s32 $execute0_lowered;
	[smem:$0x3FD2] =	sst s25  }
0xac: {  	s6 =	sshll.u32 s26, $0x1;
	_ =	strace $0x80000046;
	[dreg:$0x1] =	wrdreg $0xFFFFFFFF  }
0xad: {  	s28 =	simm.s32 $_size_execute0_lowered;
	s4 =	sadd.s32 s4, s6;
	[dreg:$0x0] =	wrdreg $0x0  }
0xae: {  	s6 =	sshll.u32 s28, $0x1;
	[dreg:$0x2] =	wrdreg s4  }
0xaf: {  	[dreg:$0x3] =	wrdreg s6  }
0xb0: {  	[dreg:$0x4] =	wrdreg $0xC0  }
0xb1: {  	_ =	task [dreg:s8], $0x5FFFF  }
0xb2: {  	[dreg:$0x1] =	wrdreg $0xFFFFFFFF  }
0xb3: {  	[dreg:$0x0] =	wrdreg $0x60  }
0xb4: {  	[dreg:$0x2] =	wrdreg s17  }
0xb5: {  	[dreg:$0x3] =	wrdreg s24  }
0xb6: {  	[dreg:$0x4] =	wrdreg s16  }
0xb7: {  	[dreg:$0x5] =	wrdreg $0x54000  }
0xb8: {  	[dreg:$0x6] =	wrdreg $0x9  }
0xb9: {  	_ =	task.clear_ibuf [dreg:s8], $0x7FFFF;
	_ =	strace $0x90000046  }
0xba: {  	s29 =	simm.s32 $0x9;
	_ =	strace $0x80000048  }
0xbb: {  	_ =	swait.ge [sflag:s29], $0x1  }
0xbc: {  	[sflag:s29] =	ssyncadd.s32 $0xFFFFFFFF  }
0xbd: {  	_ =	strace $0x90000048  }
0xbe: {  	_ =	sfence  }
0xbf: {  	s30 =	sld [smem:$0x0];
	_ =	sdelay $0x2  }
0xc0: {  	s31 =	sshll.u32 s1, $0xD;
	s1 =	sshrl.u32 s1, $0x2  }
0xc1: {  	s3 =	sand.u32 $0x4000, s31;
	s1 =	sadd.s32 s1, s30  }
0xc2: {  	s0 =	sor.u32 s3, s0;
	s1 =	sshll.u32 s1, $0x11  }
0xc3: {  	s0 =	sor.u32 s1, s0  }
0xc4: {  	s0 =	sadd.s32 $0x8F2B, s0  }
0xc5: {  	[sflag:s0] =	ssyncadd.remote.s32 $0x1  }
0xc6: {  	_ =	sfence.sel $0xFFFF  }
0xc7: {  	[dreg:$0x0] =	wrdreg $0xFFFFFFFF;
	(pc) =	sbr.abs _section_cstart, $3  }
0xc8: {  	[dreg:$0x1] =	wrdreg $0xFFFFFFFF  }
0xc9: {  	_ =	task.clear_ibuf [dreg:s8], $0x2FFFF;
	_ =	strace $0x9FFFFFFF  }
0xca: {  	(tm) =	ssettm $0x7FFFFFFF  }
0xcb: {  	_ =	shalt  }
tec
execute0_lowered:
.L_overlay_start_1:
0x0: {  	(tag) =	ssettag $0x1  }
0x1: {  	s11 =	rddreg [dreg:$0x0]  }
0x2: {  	s6 =	rddreg [dreg:$0x1]  }
0x3: {  	s2 =	rddreg [dreg:$0x2];
	s1 =	srdreg.scid  }
0x4: {  	s0 =	stileid.u32;
	s3 =	rddreg [dreg:$0x3]  }
0x5: {  	s4 =	simm.s32 $0x0;
	s15 =	simm.s32 $0x1;
	s16 =	simm.s32 $0x80  }
0x6: {  	s7 =	sand.u32 $0x1, s1;
	s5 =	smul.u32 $0x2800, s0;
	s1 =	rddreg [dreg:$0x4]  }
0x7: {  	s19 =	simm.s32 $0x0;
	[smem:$0x7FF] =	sst s4;
	s9 =	smul.u32 $0x50000, s0  }
0x8: {  	s17 =	sshll.u32 s0, $0x6;
	s8 =	smul.u32 $0x28000, s7;
	_ =	strace $0x80000047  }
0x9: {  	s29 =	sshll.u32 s7, $0x4;
	s7 =	ssub.s32 $0x2, s7;
	s17 =	sor.u32 $0x1C01, s17  }
0xa: {  	s30 =	sshrl.u32 s9, $0x2;
	s31 =	sor.u32 s0, s29;
	s10 =	sshrl.u32 s7, $0x1  }
0xb: {  	s8 =	sadd.s32 s5, s8;
	s5 =	sadd.s32 $0x1E00, s6;
	s13 =	smul.u32 $0x280, s31  }
0xc: {  	s14 =	ssub.s32 s7, s10;
	s12 =	sadd.s32 s8, s6;
	s6 =	sadd.s32 s30, s3  }
0xd: {  	s7 =	sadd.s32 $0x4000, s6;
	s8 =	sadd.s32 $0x8000, s6;
	s9 =	sadd.s32 $0xC000, s6  }
0xe: {  	s10 =	sadd.s32 $0x10000, s6;
	s11 =	sadd.s32 s11, s13;
	s12 =	sadd.s32 $0x2600, s12  }
0xf: {  	s13 =	smax.u32 s14, $0x1;
	s14 =	simm.s32 $0x1400;
	s18 =	sshrl.u32 s6, $0x3  }
.LBB2_1:
0x10: {  	[tilespmem:s14], [sflag:$0x1] =	stream.linear.gather [hbm4b:s5+s4], $0x4000, $0x38;
	[tilespmem:$0x19400] =	vst v63  }
0x11: {  	_ =	swait.ge [sflag:s15], $0x4000  }
0x12: {  	[sflag:s15] =	ssyncset.done $0x0  }
0x13: {  	[sflag:s15] =	ssyncadd.s32 $0xFFFFC000  }
0x14: {  	[spmem:s6] =	stream.linear.scatter [tilespmem:s14], [sflag:$0x1], $0x4000, $0x38;
	[tilespmem:$0x19400] =	vst v63  }
0x15: {  	_ =	swait.ge [sflag:s15], $0x4000  }
0x16: {  	[sflag:s15] =	ssyncset.done $0x0  }
0x17: {  	[sflag:s15] =	ssyncadd.s32 $0xFFFFC000  }
0x18: {  	[spmem:s7] =	stream.linear.scatter [tilespmem:s14], [sflag:$0x1], $0x4000, $0x38;
	[tilespmem:$0x19400] =	vst v63  }
0x19: {  	_ =	swait.ge [sflag:s15], $0x4000  }
0x1a: {  	[sflag:s15] =	ssyncset.done $0x0  }
0x1b: {  	[sflag:s15] =	ssyncadd.s32 $0xFFFFC000  }
0x1c: {  	[spmem:s8] =	stream.linear.scatter [tilespmem:s14], [sflag:$0x1], $0x4000, $0x38;
	[tilespmem:$0x19400] =	vst v63  }
0x1d: {  	_ =	swait.ge [sflag:s15], $0x4000  }
0x1e: {  	[sflag:s15] =	ssyncset.done $0x0  }
0x1f: {  	[sflag:s15] =	ssyncadd.s32 $0xFFFFC000  }
0x20: {  	[spmem:s9] =	stream.linear.scatter [tilespmem:s14], [sflag:$0x1], $0x4000, $0x38;
	[tilespmem:$0x19400] =	vst v63  }
0x21: {  	_ =	swait.ge [sflag:s15], $0x4000  }
0x22: {  	[sflag:s15] =	ssyncset.done $0x0  }
0x23: {  	[sflag:s15] =	ssyncadd.s32 $0xFFFFC000  }
0x24: {  	[spmem:s10] =	stream.linear.scatter [tilespmem:s14], [sflag:$0x1], $0x4000, $0x38;
	[tilespmem:$0x19400] =	vst v63  }
0x25: {  	_ =	swait.ge [sflag:s15], $0x4000  }
0x26: {  	[sflag:s15] =	ssyncset.done $0x0  }
0x27: {  	[sflag:s15] =	ssyncadd.s32 $0xFFFFC000  }
0x28: {  	[tilespmem:s14], [sflag:$0x1] =	stream.linear.gather [hbm4b:s2+s4], $0x4000, $0x38;
	[tilespmem:$0x19400] =	vst v63  }
0x29: {  	_ =	swait.ge [sflag:s15], $0x4000  }
0x2a: {  	[sflag:s15] =	ssyncset.done $0x0  }
0x2b: {  	[sflag:s15] =	ssyncadd.s32 $0xFFFFC000  }
0x2c: {  	[tilespmem:s4], [sflag:$0x1] =	stream.linear.gather [hbm4b:s11+s4], $0x1400, $0x38;
	[tilespmem:$0x19400] =	vst v63  }
0x2d: {  	_ =	swait.ge [sflag:s15], $0x1400  }
0x2e: {  	[sflag:s15] =	ssyncset.done $0x0  }
0x2f: {  	[sflag:s15] =	ssyncadd.s32 $0xFFFFEC00  }
0x30: {  	s20 =	simm.s32 $0x0;
	[bflag:$0x0] =	sbarrier.arrive $0xFFFF  }
0x31: {  	[spmem:s3] =	stream.indirect.scatter.add.f32 [tilespmem:s14], [sflag:$0x1], $0x80, s20, s16, $0xb8;
	[tilespmem:$0x19400] =	vst v63  }
0x32: {  	_ =	swait.ge [sflag:s15], $0x4000  }
0x33: {  	s20 =	simm.s32 $0x200;
	[sflag:s15] =	ssyncset.done $0x0  }
.LBB2_2:
0x34: {  	s21 =	sshra.s32 s20, $0x2;
	[sflag:s15] =	ssyncadd.s32 $0xFFFFC000;
	p0 =	sne.s32 s20, $0x4E00  }
0x35: {  	[spmem:s3] =	stream.indirect.scatter.add.f32 [tilespmem:s14], [sflag:$0x1], $0x80, s21, s16, $0xb8;
	[tilespmem:$0x19400] =	vst v63  }
.Ltmp0:
0x36: {  	_ = 	snop;
	(pc) =	sbr.rel @p0 .LBB2_2-.Ltmp0, $4  }
0x37: {  	_ = 	snop  }
0x38: {  	s20 =	sadd.s32 $0x200, s20  }
0x39: {  	_ =	swait.ge [sflag:s15], $0x4000  }
0x3a: {  	[sflag:s15] =	ssyncset.done $0x0  }
0x3b: {  	s19 =	sadd.s32 $0x1, s19  }
0x3c: {  	[sflag:s15] =	ssyncadd.s32 $0xFFFFC000;
	p0 =	sne.s32 s19, s13  }
.Ltmp1:
0x3d: {  	[bflag:$0x0] =	sbarrier.arrive $0xFFFF;
	(pc) =	sbr.rel @p0 .LBB2_1-.Ltmp1, $4  }
0x3e: {  	[hbm:s12], [sflag:s17] =	dma.local [spmem:s18], $0x2800  }
0x3f: {  	_ =	swait.ge [sflag:s15], $0x2800  }
0x40: {  	[sflag:s15] =	ssyncset.done $0x0  }
0x41: {  	[sflag:s15] =	ssyncadd.s32 $0xFFFFD800  }
0x42: {  	_ =	sfence.sel $0x180000  }
0x43: {  	[bflag:$0x0] =	sbarrier.arrive $0xFFFF  }
0x44: {  	p0 =	sne.s32 s0, $0x0;
	_ =	strace $0x90000047  }
0x45: {  	s0 =	sadd.s32 @!p0 $0x100000, s1;
	[bflag:$0x2] =	sbarrier.arrive $0xFFFF  }
0x46: {  	[sflag:s0] =	ssyncadd.tile.s32 @!p0 $0x1;
	_ =	shalt  }
.Lfunc_end2:
_tile_overlayer_lowered:
.L_overlay_start_2:
0x47: {  	(tag) =	ssettag $0x2  }
0x48: {  	s0 =	rddreg [dreg:$0x0];
	s2 =	stileid.u32  }
0x49: {  	s1 =	rddreg [dreg:$0x1];
	p0 =	sne.s32 s2, $0x0  }
0x4a: {  	s3 =	rddreg [dreg:$0x2];
	[bflag:$0x3] =	sbarrier.arrive $0xFFFF;
	s2 =	simm.s32 @!p0 $0x1C01  }
0x4b: {  	[timem:s3], [sflag:s2] =	dma.local @!p0 [hbm:s0], s1  }
0x4c: {  	s0 =	simm.s32 @!p0 $0x1  }
0x4d: {  	_ =	swait.ge @!p0 [sflag:s0], s1  }
0x4e: {  	s1 =	ssub.s32 @!p0 $0x0, s1;
	[sflag:s0] =	ssyncset.done @!p0 $0x0  }
0x4f: {  	[sflag:s0] =	ssyncadd.s32 @!p0 s1  }
0x50: {  	[bflag:$0x3] =	sbarrier.arrive $0xFFFF  }
0x51: {  	_ =	shalt  }

</sc_bundles>
